<compile_context>
chip_gen: v7x
topology: tpu7x:2x2x1
jax: 0.10.2.dev20260603
libtpu: 0.0.44.dev20260713+nightly
codegen_flags: <defaults>
</compile_context>

<pallas_src>
import functools

import jax
import jax.numpy as jnp
import numpy as np
from jax import lax
from jax.experimental import pallas as pl
from jax.experimental.pallas import tpu as pltpu
from jax.experimental.pallas import tpu_sc as plsc

N_ATOMS = 10000
N_EDGES = 160000
D_ATOM = 512
D_EDGE = 256
D_RBF = 16
DH = D_EDGE // 2
INV_SQRT2 = np.float32(1.0 / np.sqrt(2.0))

NS = 16
SLICE_A = 96000
SLICE_B = N_EDGES - SLICE_A
CHUNK = 80
ROW_STRIDE = 624
ROW_WIN = 640

EDGE_BLK = 1600
ATOM_BLK = 2000


def _silu(x):
    return x / (1.0 + jnp.exp(-x))


def _edge_body(m_ref, rbf_ref, wrbf_ref, o_ref):
    y = m_ref[...] * jnp.dot(rbf_ref[...], wrbf_ref[...],
                             preferred_element_type=jnp.float32)
    o_ref[0] = y[:, :DH]
    o_ref[1] = y[:, DH:]


def _edge_stage(m, rbf, W_rbf, blk0, nblk):
    return pl.pallas_call(
        _edge_body,
        grid=(nblk,),
        in_specs=[
            pl.BlockSpec((EDGE_BLK, D_EDGE), lambda i: (blk0 + i, 0)),
            pl.BlockSpec((EDGE_BLK, D_RBF), lambda i: (blk0 + i, 0)),
            pl.BlockSpec((D_RBF, D_EDGE), lambda i: (0, 0)),
        ],
        out_specs=pl.BlockSpec((2, EDGE_BLK, DH), lambda i: (0, i, 0)),
        out_shape=jax.ShapeDtypeStruct((2, nblk * EDGE_BLK, DH), jnp.float32),
    )(m, rbf, W_rbf)


def _seg_body(ept, nchunk, first, x_hbm, idx_hbm, init_hbm, out_hbm,
              idxb_ref, rows_ref, acc_ref, gs0, gs1, gs2, ss0, ss1, ss2):
    c = lax.axis_index("c")
    s = lax.axis_index("s")
    gs = (gs0, gs1, gs2)
    ss = (ss0, ss1, ss2)
    if first:
        pltpu.sync_copy(init_hbm, acc_ref.at[pl.ds(s * ROW_STRIDE, ROW_WIN)])
    else:
        pltpu.sync_copy(init_hbm.at[c, pl.ds(s * ROW_STRIDE, ROW_WIN)],
                        acc_ref.at[pl.ds(s * ROW_STRIDE, ROW_WIN)])

    def gather(grp, buf):
        e0 = s * ept + grp * CHUNK
        pltpu.async_copy(x_hbm.at[c, pl.ds(e0, CHUNK)],
                         rows_ref.at[buf], gs[buf])
        pltpu.async_copy(idx_hbm.at[s, grp], idxb_ref.at[buf], gs[buf])

    def step(g, buf):
        b2 = (buf + 2) % 3
        pltpu.make_async_copy(x_hbm.at[c, pl.ds(s * ept, CHUNK)],
                              rows_ref.at[buf], gs[buf]).wait()
        pltpu.make_async_copy(idx_hbm.at[s, 0], idxb_ref.at[buf], gs[buf]).wait()
        pltpu.async_copy(rows_ref.at[buf],
                         acc_ref.at[idxb_ref.at[buf, 0]], ss[buf], add=True)

        @pl.when(g >= 1)
        def _():
            pltpu.make_async_copy(rows_ref.at[b2],
                                  acc_ref.at[idxb_ref.at[b2, 0]],
                                  ss[b2]).wait()

        @pl.when(g + 2 < nchunk)
        def _():
            gather(g + 2, b2)

    gather(0, 0)
    gather(1, 1)
    plsc.subcore_barrier()

    def body(g3, carry):
        for u in range(3):
            g = 3 * g3 + u

            @pl.when(g < nchunk)
            def _():
                step(g, u)

        return carry

    lax.fori_loop(0, (nchunk + 2) // 3, body, 0)
    fb = (nchunk - 1) % 3
    pltpu.make_async_copy(rows_ref.at[fb],
                          acc_ref.at[idxb_ref.at[fb, 0]], ss[fb]).wait()
    plsc.subcore_barrier()
    pltpu.sync_copy(acc_ref.at[pl.ds(s * ROW_STRIDE, ROW_WIN)],
                    out_hbm.at[c, pl.ds(s * ROW_STRIDE, ROW_WIN)])


def _seg_stage(x_split, idj4d, init, ept, nchunk, first=False):
    mesh = plsc.VectorSubcoreMesh(core_axis_name="c", subcore_axis_name="s")
    fn = pl.kernel(
        functools.partial(_seg_body, ept, nchunk, first),
        out_type=jax.ShapeDtypeStruct((2, N_ATOMS, DH), jnp.float32),
        mesh=mesh,
        scratch_types=[
            pltpu.VMEM((3, 1, CHUNK), jnp.int32),
            pltpu.VMEM((3, CHUNK, DH), jnp.float32),
            pltpu.VMEM_SHARED((N_ATOMS, DH), jnp.float32),
            pltpu.SemaphoreType.DMA,
            pltpu.SemaphoreType.DMA,
            pltpu.SemaphoreType.DMA,
            pltpu.SemaphoreType.DMA,
            pltpu.SemaphoreType.DMA,
            pltpu.SemaphoreType.DMA,
        ],
    )
    return fn(x_split, idj4d, init)


def _mlp_body(x2_ref, w1_ref, wa0, wb0, wa1, wb1, wa2, wb2, o_ref):
    x2 = jnp.concatenate([x2_ref[0], x2_ref[1]], axis=-1)
    x = _silu(jnp.dot(x2, w1_ref[...], preferred_element_type=jnp.float32))
    for wa, wb in ((wa0, wb0), (wa1, wb1), (wa2, wb2)):
        y = _silu(jnp.dot(x, wa[...], preferred_element_type=jnp.float32))
        y = _silu(jnp.dot(y, wb[...], preferred_element_type=jnp.float32))
        x = (x + y) * INV_SQRT2
    o_ref[...] = x


def _mlp_stage(x2_split, W1, Wr0a, Wr0b, Wr1a, Wr1b, Wr2a, Wr2b):
    grid = (N_ATOMS // ATOM_BLK,)
    wspec = pl.BlockSpec((D_ATOM, D_ATOM), lambda i: (0, 0))
    return pl.pallas_call(
        _mlp_body,
        grid=grid,
        in_specs=[
            pl.BlockSpec((2, ATOM_BLK, DH), lambda i: (0, i, 0)),
            pl.BlockSpec((D_EDGE, D_ATOM), lambda i: (0, 0)),
            wspec, wspec, wspec, wspec, wspec, wspec,
        ],
        out_specs=pl.BlockSpec((ATOM_BLK, D_ATOM), lambda i: (i, 0)),
        out_shape=jax.ShapeDtypeStruct((N_ATOMS, D_ATOM), jnp.float32),
    )(x2_split, W1, Wr0a, Wr0b, Wr1a, Wr1b, Wr2a, Wr2b)


def kernel(h, m, rbf, id_j, W_rbf, W1, Wr0a, Wr0b, Wr1a, Wr1b, Wr2a, Wr2b):
    del h
    blk_a = SLICE_A // EDGE_BLK
    blk_b = SLICE_B // EDGE_BLK
    xa = _edge_stage(m, rbf, W_rbf, 0, blk_a)
    xb = _edge_stage(m, rbf, W_rbf, blk_a, blk_b)
    idj = id_j.astype(jnp.int32)
    ia = idj[:SLICE_A].reshape(NS, SLICE_A // (NS * CHUNK), 1, CHUNK)
    ib = idj[SLICE_A:].reshape(NS, SLICE_B // (NS * CHUNK), 1, CHUNK)
    zeros = jnp.zeros((ROW_WIN, DH), jnp.float32)
    pa = _seg_stage(xa, ia, zeros, SLICE_A // NS, SLICE_A // (NS * CHUNK),
                    first=True)
    x2_split = _seg_stage(xb, ib, pa, SLICE_B // NS, SLICE_B // (NS * CHUNK))
    return _mlp_stage(x2_split, W1, Wr0a, Wr0b, Wr1a, Wr1b, Wr2a, Wr2b)

# --- scband reference (transcript-rebuilt; emitter-appended) ---
"""Pipeline reference for scband-atom-update-block-78408922956494 (READ-ONLY COPY).

The authoritative reference and input builder live on the scoring server;
editing this copy changes nothing except your own understanding.
"""

import jax, jax.numpy as jnp
import numpy as np

N_ATOMS = 10000
N_EDGES = 160000
D_ATOM = 512
D_EDGE = 256
D_RBF = 16
INV_SQRT2 = 1.0 / np.sqrt(2.0).astype(np.float32)


def setup_inputs(seed: int = 0) -> dict:
    key = jax.random.key(seed)
    ks = jax.random.split(key, 12)
    h = jax.random.normal(ks[0], (N_ATOMS, D_ATOM), dtype=jnp.float32)
    m = jax.random.normal(ks[1], (N_EDGES, D_EDGE), dtype=jnp.float32)
    rbf = jax.random.uniform(ks[2], (N_EDGES, D_RBF), dtype=jnp.float32)
    id_j = jax.random.randint(ks[3], (N_EDGES,), 0, N_ATOMS)
    W_rbf = jax.random.normal(ks[4], (D_RBF, D_EDGE), dtype=jnp.float32) / np.sqrt(D_RBF)
    W1 = jax.random.normal(ks[5], (D_EDGE, D_ATOM), dtype=jnp.float32) / np.sqrt(D_EDGE)
    Wr0a = jax.random.normal(ks[6], (D_ATOM, D_ATOM), dtype=jnp.float32) / np.sqrt(D_ATOM)
    Wr0b = jax.random.normal(ks[7], (D_ATOM, D_ATOM), dtype=jnp.float32) / np.sqrt(D_ATOM)
    Wr1a = jax.random.normal(ks[8], (D_ATOM, D_ATOM), dtype=jnp.float32) / np.sqrt(D_ATOM)
    Wr1b = jax.random.normal(ks[9], (D_ATOM, D_ATOM), dtype=jnp.float32) / np.sqrt(D_ATOM)
    Wr2a = jax.random.normal(ks[10], (D_ATOM, D_ATOM), dtype=jnp.float32) / np.sqrt(D_ATOM)
    Wr2b = jax.random.normal(ks[11], (D_ATOM, D_ATOM), dtype=jnp.float32) / np.sqrt(D_ATOM)
    return {"h": h, "m": m, "rbf": rbf, "id_j": id_j,
            "W_rbf": W_rbf, "W1": W1,
            "Wr0a": Wr0a, "Wr0b": Wr0b, "Wr1a": Wr1a,
            "Wr1b": Wr1b, "Wr2a": Wr2a, "Wr2b": Wr2b}


def reference(h, m, rbf, id_j, W_rbf, W1, Wr0a, Wr0b, Wr1a, Wr1b, Wr2a, Wr2b):
    nAtoms = h.shape[0]
    # dense_rbf: Dense(emb_size_rbf -> emb_size_edge), no bias, no activation
    mlp_rbf = rbf @ W_rbf                      # [E, D_EDGE]
    x = m * mlp_rbf                            # [E, D_EDGE]
    # scatter-add over destination atoms
    x2 = jax.ops.segment_sum(x, id_j, num_segments=nAtoms)  # [N, D_EDGE]
    # ScalingFactor with scale_file=None -> scale = 1.0
    x = x2 * 1.0
    # dense1: Dense(emb_size_edge -> emb_size_atom), bias=False, activation silu
    x = jax.nn.silu(x @ W1)                    # [N, D_ATOM]
    # nHidden residual layers, each: 2 Dense (silu, no bias), skip, * 1/sqrt(2)
    for Wa, Wb in ((Wr0a, Wr0b), (Wr1a, Wr1b), (Wr2a, Wr2b)):
        xin = x
        y = jax.nn.silu(x @ Wa)
        y = jax.nn.silu(y @ Wb)
        x = (xin + y) * INV_SQRT2
    return x

if __name__ == "__main__":
    import jax
    _d = setup_inputs()
    print(jax.jit(kernel)(*tuple(_d.values())))

</pallas_src>

<mosaic_0001>
#map = affine_map<(d0, d1) -> (0, 0, 0)>
#map1 = affine_map<(d0, d1) -> (0, 0, 0, 0)>
module attributes {stable_mosaic.version = 14 : i64} {
  func.func @_seg_body(%arg0: i32, %arg1: i32, %arg2: memref<2x64000x128xf32, #tpu.memory_space<hbm>>, %arg3: memref<16x50x1x80xi32, #tpu.memory_space<hbm>>, %arg4: memref<2x10000x128xf32, #tpu.memory_space<hbm>>, %arg5: memref<2x10000x128xf32, #tpu.memory_space<hbm>>, %arg6: memref<3x1x80xi32, #tpu.memory_space<vmem>>, %arg7: memref<3x80x128xf32, #tpu.memory_space<vmem>>, %arg8: memref<10000x128xf32, #tpu.memory_space<vmem_shared>>, %arg9: memref<!tpu.dma_semaphore, #tpu.memory_space<semaphore_mem>>, %arg10: memref<!tpu.dma_semaphore, #tpu.memory_space<semaphore_mem>>, %arg11: memref<!tpu.dma_semaphore, #tpu.memory_space<semaphore_mem>>, %arg12: memref<!tpu.dma_semaphore, #tpu.memory_space<semaphore_mem>>, %arg13: memref<!tpu.dma_semaphore, #tpu.memory_space<semaphore_mem>>, %arg14: memref<!tpu.dma_semaphore, #tpu.memory_space<semaphore_mem>>) attributes {dimension_semantics = [#tpu.dimension_semantics<core_parallel>, #tpu.dimension_semantics<subcore_parallel>], iteration_bounds = array<i64: 2, 16>, scalar_prefetch = 0 : i64, scratch_operands = 9 : i64, tpu.core_type = #tpu.core_type<sc_vector_subcore>, window_params = [{transform_indices = #map}, {transform_indices = #map1}, {transform_indices = #map}, {transform_indices = #map}]} {
    %mul3A = arith.constant 624 : i32
    %mul3A_0 = arith.muli %arg1, %mul3A : i32
    %mul3A_1 = arith.constant 624 : i32
    %mul3A_2 = arith.muli %arg1, %mul3A_1 : i32
    "tpu.region"() ({
      %run_scoped3A = tpu.sem_alloc : memref<!tpu.dma_semaphore, #tpu.memory_space<semaphore_mem>>
      %dma_start3A_97 = arith.constant 0 : i32
      %dma_start3A_98 = tpu.memref_slice %arg8[%mul3A_2, %dma_start3A_97] : memref<10000x128xf32, #tpu.memory_space<vmem_shared>> -> memref<640x128xf32, #tpu.memory_space<vmem_shared>>
      %dma_start3A_99 = arith.constant 0 : i32
      %dma_start3A_100 = tpu.memref_slice %arg4[%arg0, %mul3A_0, %dma_start3A_99] : memref<2x10000x128xf32, #tpu.memory_space<hbm>> -> memref<1x640x128xf32, #tpu.memory_space<hbm>>
      %dma_start3A_101 = tpu.memref_squeeze %dma_start3A_100 : memref<1x640x128xf32, #tpu.memory_space<hbm>> -> memref<640x128xf32, #tpu.memory_space<hbm>>
      tpu.enqueue_dma source(%dma_start3A_101 : memref<640x128xf32, #tpu.memory_space<hbm>>) target(%dma_start3A_98 : memref<640x128xf32, #tpu.memory_space<vmem_shared>>) target_semaphore(%run_scoped3A : memref<!tpu.dma_semaphore, #tpu.memory_space<semaphore_mem>>)
      %dma_wait3A_102 = arith.constant 0 : i32
      %dma_wait3A_103 = tpu.memref_slice %arg8[%mul3A_2, %dma_wait3A_102] : memref<10000x128xf32, #tpu.memory_space<vmem_shared>> -> memref<640x128xf32, #tpu.memory_space<vmem_shared>>
      %dma_wait3A_104 = arith.constant 0 : i32
      %dma_wait3A_105 = tpu.memref_slice %arg4[%arg0, %mul3A_0, %dma_wait3A_104] : memref<2x10000x128xf32, #tpu.memory_space<hbm>> -> memref<1x640x128xf32, #tpu.memory_space<hbm>>
      %dma_wait3A_106 = tpu.memref_squeeze %dma_wait3A_105 : memref<1x640x128xf32, #tpu.memory_space<hbm>> -> memref<640x128xf32, #tpu.memory_space<hbm>>
      tpu.wait_dma2 semaphore(%run_scoped3A : memref<!tpu.dma_semaphore, #tpu.memory_space<semaphore_mem>>) src(%dma_wait3A_106 : memref<640x128xf32, #tpu.memory_space<hbm>>) dst(%dma_wait3A_103 : memref<640x128xf32, #tpu.memory_space<vmem_shared>>)
      tpu.yield
    }) : () -> ()
    %mul3A_3 = arith.constant 4000 : i32
    %mul3A_4 = arith.muli %arg1, %mul3A_3 : i32
    %add3A = arith.constant 0 : i32
    %add3A_5 = arith.addi %mul3A_4, %add3A : i32
    %dma_start3A = arith.constant 0 : i32
    %dma_start3A_6 = arith.constant 0 : i32
    %dma_start3A_7 = arith.constant 0 : i32
    %dma_start3A_8 = tpu.memref_slice %arg7[%dma_start3A, %dma_start3A_6, %dma_start3A_7] : memref<3x80x128xf32, #tpu.memory_space<vmem>> -> memref<1x80x128xf32, #tpu.memory_space<vmem>>
    %dma_start3A_9 = tpu.memref_squeeze %dma_start3A_8 : memref<1x80x128xf32, #tpu.memory_space<vmem>> -> memref<80x128xf32, #tpu.memory_space<vmem>>
    %dma_start3A_10 = arith.constant 0 : i32
    %dma_start3A_11 = tpu.memref_slice %arg2[%arg0, %add3A_5, %dma_start3A_10] : memref<2x64000x128xf32, #tpu.memory_space<hbm>> -> memref<1x80x128xf32, #tpu.memory_space<hbm>>
    %dma_start3A_12 = tpu.memref_squeeze %dma_start3A_11 : memref<1x80x128xf32, #tpu.memory_space<hbm>> -> memref<80x128xf32, #tpu.memory_space<hbm>>
    %dma_start3A_13 = arith.constant 0 : i32
    %dma_start3A_14 = arith.constant 0 : i32
    %dma_start3A_15 = tpu.memref_slice %arg7[%dma_start3A, %dma_start3A_13, %dma_start3A_14] : memref<3x80x128xf32, #tpu.memory_space<vmem>> -> memref<1x80x128xf32, #tpu.memory_space<vmem>>
    %dma_start3A_16 = tpu.memref_squeeze %dma_start3A_15 : memref<1x80x128xf32, #tpu.memory_space<vmem>> -> memref<80x128xf32, #tpu.memory_space<vmem>>
    %dma_start3A_17 = arith.constant 0 : i32
    %dma_start3A_18 = tpu.memref_slice %arg2[%arg0, %add3A_5, %dma_start3A_17] : memref<2x64000x128xf32, #tpu.memory_space<hbm>> -> memref<1x80x128xf32, #tpu.memory_space<hbm>>
    %dma_start3A_19 = tpu.memref_squeeze %dma_start3A_18 : memref<1x80x128xf32, #tpu.memory_space<hbm>> -> memref<80x128xf32, #tpu.memory_space<hbm>>
    tpu.enqueue_dma source(%dma_start3A_19 : memref<80x128xf32, #tpu.memory_space<hbm>>) target(%dma_start3A_16 : memref<80x128xf32, #tpu.memory_space<vmem>>) target_semaphore(%arg9 : memref<!tpu.dma_semaphore, #tpu.memory_space<semaphore_mem>>)
    %dma_start3A_20 = arith.constant 0 : i32
    %dma_start3A_21 = arith.constant 0 : i32
    %dma_start3A_22 = arith.constant 0 : i32
    %dma_start3A_23 = arith.constant 0 : i32
    %dma_start3A_24 = tpu.memref_slice %arg6[%dma_start3A_21, %dma_start3A_22, %dma_start3A_23] : memref<3x1x80xi32, #tpu.memory_space<vmem>> -> memref<1x1x80xi32, #tpu.memory_space<vmem>>
    %dma_start3A_25 = tpu.memref_squeeze %dma_start3A_24 : memref<1x1x80xi32, #tpu.memory_space<vmem>> -> memref<1x80xi32, #tpu.memory_space<vmem>>
    %dma_start3A_26 = arith.constant 0 : i32
    %dma_start3A_27 = arith.constant 0 : i32
    %dma_start3A_28 = tpu.memref_slice %arg3[%arg1, %dma_start3A_20, %dma_start3A_26, %dma_start3A_27] : memref<16x50x1x80xi32, #tpu.memory_space<hbm>> -> memref<1x1x1x80xi32, #tpu.memory_space<hbm>>
    %dma_start3A_29 = tpu.memref_squeeze %dma_start3A_28 : memref<1x1x1x80xi32, #tpu.memory_space<hbm>> -> memref<1x80xi32, #tpu.memory_space<hbm>>
    %dma_start3A_30 = arith.constant 0 : i32
    %dma_start3A_31 = arith.constant 0 : i32
    %dma_start3A_32 = tpu.memref_slice %arg6[%dma_start3A_21, %dma_start3A_30, %dma_start3A_31] : memref<3x1x80xi32, #tpu.memory_space<vmem>> -> memref<1x1x80xi32, #tpu.memory_space<vmem>>
    %dma_start3A_33 = tpu.memref_squeeze %dma_start3A_32 : memref<1x1x80xi32, #tpu.memory_space<vmem>> -> memref<1x80xi32, #tpu.memory_space<vmem>>
    %dma_start3A_34 = arith.constant 0 : i32
    %dma_start3A_35 = arith.constant 0 : i32
    %dma_start3A_36 = tpu.memref_slice %arg3[%arg1, %dma_start3A_20, %dma_start3A_34, %dma_start3A_35] : memref<16x50x1x80xi32, #tpu.memory_space<hbm>> -> memref<1x1x1x80xi32, #tpu.memory_space<hbm>>
    %dma_start3A_37 = tpu.memref_squeeze %dma_start3A_36 : memref<1x1x1x80xi32, #tpu.memory_space<hbm>> -> memref<1x80xi32, #tpu.memory_space<hbm>>
    tpu.enqueue_dma source(%dma_start3A_37 : memref<1x80xi32, #tpu.memory_space<hbm>>) target(%dma_start3A_33 : memref<1x80xi32, #tpu.memory_space<vmem>>) target_semaphore(%arg9 : memref<!tpu.dma_semaphore, #tpu.memory_space<semaphore_mem>>)
    %mul3A_38 = arith.constant 4000 : i32
    %mul3A_39 = arith.muli %arg1, %mul3A_38 : i32
    %add3A_40 = arith.constant 80 : i32
    %add3A_41 = arith.addi %mul3A_39, %add3A_40 : i32
    %dma_start3A_42 = arith.constant 1 : i32
    %dma_start3A_43 = arith.constant 0 : i32
    %dma_start3A_44 = arith.constant 0 : i32
    %dma_start3A_45 = tpu.memref_slice %arg7[%dma_start3A_42, %dma_start3A_43, %dma_start3A_44] : memref<3x80x128xf32, #tpu.memory_space<vmem>> -> memref<1x80x128xf32, #tpu.memory_space<vmem>>
    %dma_start3A_46 = tpu.memref_squeeze %dma_start3A_45 : memref<1x80x128xf32, #tpu.memory_space<vmem>> -> memref<80x128xf32, #tpu.memory_space<vmem>>
    %dma_start3A_47 = arith.constant 0 : i32
    %dma_start3A_48 = tpu.memref_slice %arg2[%arg0, %add3A_41, %dma_start3A_47] : memref<2x64000x128xf32, #tpu.memory_space<hbm>> -> memref<1x80x128xf32, #tpu.memory_space<hbm>>
    %dma_start3A_49 = tpu.memref_squeeze %dma_start3A_48 : memref<1x80x128xf32, #tpu.memory_space<hbm>> -> memref<80x128xf32, #tpu.memory_space<hbm>>
    %dma_start3A_50 = arith.constant 0 : i32
    %dma_start3A_51 = arith.constant 0 : i32
    %dma_start3A_52 = tpu.memref_slice %arg7[%dma_start3A_42, %dma_start3A_50, %dma_start3A_51] : memref<3x80x128xf32, #tpu.memory_space<vmem>> -> memref<1x80x128xf32, #tpu.memory_space<vmem>>
    %dma_start3A_53 = tpu.memref_squeeze %dma_start3A_52 : memref<1x80x128xf32, #tpu.memory_space<vmem>> -> memref<80x128xf32, #tpu.memory_space<vmem>>
    %dma_start3A_54 = arith.constant 0 : i32
    %dma_start3A_55 = tpu.memref_slice %arg2[%arg0, %add3A_41, %dma_start3A_54] : memref<2x64000x128xf32, #tpu.memory_space<hbm>> -> memref<1x80x128xf32, #tpu.memory_space<hbm>>
    %dma_start3A_56 = tpu.memref_squeeze %dma_start3A_55 : memref<1x80x128xf32, #tpu.memory_space<hbm>> -> memref<80x128xf32, #tpu.memory_space<hbm>>
    tpu.enqueue_dma source(%dma_start3A_56 : memref<80x128xf32, #tpu.memory_space<hbm>>) target(%dma_start3A_53 : memref<80x128xf32, #tpu.memory_space<vmem>>) target_semaphore(%arg10 : memref<!tpu.dma_semaphore, #tpu.memory_space<semaphore_mem>>)
    %dma_start3A_57 = arith.constant 1 : i32
    %dma_start3A_58 = arith.constant 1 : i32
    %dma_start3A_59 = arith.constant 0 : i32
    %dma_start3A_60 = arith.constant 0 : i32
    %dma_start3A_61 = tpu.memref_slice %arg6[%dma_start3A_58, %dma_start3A_59, %dma_start3A_60] : memref<3x1x80xi32, #tpu.memory_space<vmem>> -> memref<1x1x80xi32, #tpu.memory_space<vmem>>
    %dma_start3A_62 = tpu.memref_squeeze %dma_start3A_61 : memref<1x1x80xi32, #tpu.memory_space<vmem>> -> memref<1x80xi32, #tpu.memory_space<vmem>>
    %dma_start3A_63 = arith.constant 0 : i32
    %dma_start3A_64 = arith.constant 0 : i32
    %dma_start3A_65 = tpu.memref_slice %arg3[%arg1, %dma_start3A_57, %dma_start3A_63, %dma_start3A_64] : memref<16x50x1x80xi32, #tpu.memory_space<hbm>> -> memref<1x1x1x80xi32, #tpu.memory_space<hbm>>
    %dma_start3A_66 = tpu.memref_squeeze %dma_start3A_65 : memref<1x1x1x80xi32, #tpu.memory_space<hbm>> -> memref<1x80xi32, #tpu.memory_space<hbm>>
    %dma_start3A_67 = arith.constant 0 : i32
    %dma_start3A_68 = arith.constant 0 : i32
    %dma_start3A_69 = tpu.memref_slice %arg6[%dma_start3A_58, %dma_start3A_67, %dma_start3A_68] : memref<3x1x80xi32, #tpu.memory_space<vmem>> -> memref<1x1x80xi32, #tpu.memory_space<vmem>>
    %dma_start3A_70 = tpu.memref_squeeze %dma_start3A_69 : memref<1x1x80xi32, #tpu.memory_space<vmem>> -> memref<1x80xi32, #tpu.memory_space<vmem>>
    %dma_start3A_71 = arith.constant 0 : i32
    %dma_start3A_72 = arith.constant 0 : i32
    %dma_start3A_73 = tpu.memref_slice %arg3[%arg1, %dma_start3A_57, %dma_start3A_71, %dma_start3A_72] : memref<16x50x1x80xi32, #tpu.memory_space<hbm>> -> memref<1x1x1x80xi32, #tpu.memory_space<hbm>>
    %dma_start3A_74 = tpu.memref_squeeze %dma_start3A_73 : memref<1x1x1x80xi32, #tpu.memory_space<hbm>> -> memref<1x80xi32, #tpu.memory_space<hbm>>
    tpu.enqueue_dma source(%dma_start3A_74 : memref<1x80xi32, #tpu.memory_space<hbm>>) target(%dma_start3A_70 : memref<1x80xi32, #tpu.memory_space<vmem>>) target_semaphore(%arg10 : memref<!tpu.dma_semaphore, #tpu.memory_space<semaphore_mem>>)
    %barrier3A = arith.constant 0 : index
    tpu.barrier barrier_id(%barrier3A)
    %scan3A = arith.constant 0 : i32
    %scan3A_75 = arith.constant 0 : i32
    %scan3A_76 = arith.constant 17 : i32
    %scan3A_77 = arith.addi %scan3A_75, %scan3A_76 : i32
    %scan3A_78 = arith.constant 1 : i32
    scf.for %scan3A_97 = %scan3A_75 to %scan3A_77 step %scan3A_78  : i32 {
      %mul3A_98 = arith.constant 3 : i32
      %mul3A_99 = arith.muli %mul3A_98, %scan3A_97 : i32
      %add3A_100 = arith.constant 0 : i32
      %add3A_101 = arith.addi %mul3A_99, %add3A_100 : i32
      %lt3A = arith.constant 50 : i32
      %lt3A_102 = arith.cmpi slt, %add3A_101, %lt3A : i32
      %convert_element_type3A = arith.extui %lt3A_102 : i1 to i32
      %cond3A = arith.constant 0 : i32
      %cond3A_103 = arith.cmpi ne, %convert_element_type3A, %cond3A : i32
      scf.if %cond3A_103 {
        %mul3A_122 = arith.constant 4000 : i32
        %mul3A_123 = arith.muli %arg1, %mul3A_122 : i32
        %dma_wait3A_124 = arith.constant 0 : i32
        %dma_wait3A_125 = arith.constant 0 : i32
        %dma_wait3A_126 = arith.constant 0 : i32
        %dma_wait3A_127 = tpu.memref_slice %arg7[%dma_wait3A_124, %dma_wait3A_125, %dma_wait3A_126] : memref<3x80x128xf32, #tpu.memory_space<vmem>> -> memref<1x80x128xf32, #tpu.memory_space<vmem>>
        %dma_wait3A_128 = tpu.memref_squeeze %dma_wait3A_127 : memref<1x80x128xf32, #tpu.memory_space<vmem>> -> memref<80x128xf32, #tpu.memory_space<vmem>>
        %dma_wait3A_129 = arith.constant 0 : i32
        %dma_wait3A_130 = tpu.memref_slice %arg2[%arg0, %mul3A_123, %dma_wait3A_129] : memref<2x64000x128xf32, #tpu.memory_space<hbm>> -> memref<1x80x128xf32, #tpu.memory_space<hbm>>
        %dma_wait3A_131 = tpu.memref_squeeze %dma_wait3A_130 : memref<1x80x128xf32, #tpu.memory_space<hbm>> -> memref<80x128xf32, #tpu.memory_space<hbm>>
        %dma_wait3A_132 = arith.constant 0 : i32
        %dma_wait3A_133 = arith.constant 0 : i32
        %dma_wait3A_134 = tpu.memref_slice %arg7[%dma_wait3A_124, %dma_wait3A_132, %dma_wait3A_133] : memref<3x80x128xf32, #tpu.memory_space<vmem>> -> memref<1x80x128xf32, #tpu.memory_space<vmem>>
        %dma_wait3A_135 = tpu.memref_squeeze %dma_wait3A_134 : memref<1x80x128xf32, #tpu.memory_space<vmem>> -> memref<80x128xf32, #tpu.memory_space<vmem>>
        %dma_wait3A_136 = arith.constant 0 : i32
        %dma_wait3A_137 = tpu.memref_slice %arg2[%arg0, %mul3A_123, %dma_wait3A_136] : memref<2x64000x128xf32, #tpu.memory_space<hbm>> -> memref<1x80x128xf32, #tpu.memory_space<hbm>>
        %dma_wait3A_138 = tpu.memref_squeeze %dma_wait3A_137 : memref<1x80x128xf32, #tpu.memory_space<hbm>> -> memref<80x128xf32, #tpu.memory_space<hbm>>
        tpu.wait_dma2 semaphore(%arg9 : memref<!tpu.dma_semaphore, #tpu.memory_space<semaphore_mem>>) src(%dma_wait3A_138 : memref<80x128xf32, #tpu.memory_space<hbm>>) dst(%dma_wait3A_135 : memref<80x128xf32, #tpu.memory_space<vmem>>)
        %dma_wait3A_139 = arith.constant 0 : i32
        %dma_wait3A_140 = arith.constant 0 : i32
        %dma_wait3A_141 = arith.constant 0 : i32
        %dma_wait3A_142 = arith.constant 0 : i32
        %dma_wait3A_143 = tpu.memref_slice %arg6[%dma_wait3A_140, %dma_wait3A_141, %dma_wait3A_142] : memref<3x1x80xi32, #tpu.memory_space<vmem>> -> memref<1x1x80xi32, #tpu.memory_space<vmem>>
        %dma_wait3A_144 = tpu.memref_squeeze %dma_wait3A_143 : memref<1x1x80xi32, #tpu.memory_space<vmem>> -> memref<1x80xi32, #tpu.memory_space<vmem>>
        %dma_wait3A_145 = arith.constant 0 : i32
        %dma_wait3A_146 = arith.constant 0 : i32
        %dma_wait3A_147 = tpu.memref_slice %arg3[%arg1, %dma_wait3A_139, %dma_wait3A_145, %dma_wait3A_146] : memref<16x50x1x80xi32, #tpu.memory_space<hbm>> -> memref<1x1x1x80xi32, #tpu.memory_space<hbm>>
        %dma_wait3A_148 = tpu.memref_squeeze %dma_wait3A_147 : memref<1x1x1x80xi32, #tpu.memory_space<hbm>> -> memref<1x80xi32, #tpu.memory_space<hbm>>
        %dma_wait3A_149 = arith.constant 0 : i32
        %dma_wait3A_150 = arith.constant 0 : i32
        %dma_wait3A_151 = tpu.memref_slice %arg6[%dma_wait3A_140, %dma_wait3A_149, %dma_wait3A_150] : memref<3x1x80xi32, #tpu.memory_space<vmem>> -> memref<1x1x80xi32, #tpu.memory_space<vmem>>
        %dma_wait3A_152 = tpu.memref_squeeze %dma_wait3A_151 : memref<1x1x80xi32, #tpu.memory_space<vmem>> -> memref<1x80xi32, #tpu.memory_space<vmem>>
        %dma_wait3A_153 = arith.constant 0 : i32
        %dma_wait3A_154 = arith.constant 0 : i32
        %dma_wait3A_155 = tpu.memref_slice %arg3[%arg1, %dma_wait3A_139, %dma_wait3A_153, %dma_wait3A_154] : memref<16x50x1x80xi32, #tpu.memory_space<hbm>> -> memref<1x1x1x80xi32, #tpu.memory_space<hbm>>
        %dma_wait3A_156 = tpu.memref_squeeze %dma_wait3A_155 : memref<1x1x1x80xi32, #tpu.memory_space<hbm>> -> memref<1x80xi32, #tpu.memory_space<hbm>>
        tpu.wait_dma2 semaphore(%arg9 : memref<!tpu.dma_semaphore, #tpu.memory_space<semaphore_mem>>) src(%dma_wait3A_156 : memref<1x80xi32, #tpu.memory_space<hbm>>) dst(%dma_wait3A_152 : memref<1x80xi32, #tpu.memory_space<vmem>>)
        %dma_start3A_157 = arith.constant 0 : i32
        %dma_start3A_158 = arith.constant 0 : i32
        %dma_start3A_159 = arith.constant 0 : i32
        %dma_start3A_160 = arith.constant 0 : i32
        %dma_start3A_161 = arith.constant 0 : i32
        %dma_start3A_162 = tpu.memref_slice %arg7[%dma_start3A_157, %dma_start3A_160, %dma_start3A_161] : memref<3x80x128xf32, #tpu.memory_space<vmem>> -> memref<1x80x128xf32, #tpu.memory_space<vmem>>
        %dma_start3A_163 = tpu.memref_squeeze %dma_start3A_162 : memref<1x80x128xf32, #tpu.memory_space<vmem>> -> memref<80x128xf32, #tpu.memory_space<vmem>>
        %dma_start3A_164 = arith.constant 0 : i32
        %dma_start3A_165 = tpu.memref_slice %arg6[%dma_start3A_158, %dma_start3A_159, %dma_start3A_164] : memref<3x1x80xi32, #tpu.memory_space<vmem>> -> memref<1x1x80xi32, #tpu.memory_space<vmem>>
        %dma_start3A_166 = tpu.memref_squeeze %dma_start3A_165 : memref<1x1x80xi32, #tpu.memory_space<vmem>> -> memref<80xi32, #tpu.memory_space<vmem>>
        %dma_start3A_167 = arith.constant 0 : i32
        %dma_start3A_168 = arith.constant 0 : i32
        %dma_start3A_169 = tpu.memref_slice %arg8[%dma_start3A_167, %dma_start3A_168] : memref<10000x128xf32, #tpu.memory_space<vmem_shared>> -> memref<10000x128xf32, #tpu.memory_space<vmem_shared>>
        tpu.enqueue_indirect_dma source(%dma_start3A_163 : memref<80x128xf32, #tpu.memory_space<vmem>>) target(%dma_start3A_169 : memref<10000x128xf32, #tpu.memory_space<vmem_shared>>) offsets(%dma_start3A_166 : memref<80xi32, #tpu.memory_space<vmem>>) semaphore(%arg12 : memref<!tpu.dma_semaphore, #tpu.memory_space<semaphore_mem>>) {add = true}
        %ge3A = arith.constant 1 : i32
        %ge3A_170 = arith.cmpi sge, %add3A_101, %ge3A : i32
        %convert_element_type3A_171 = arith.extui %ge3A_170 : i1 to i32
        %cond3A_172 = arith.constant 0 : i32
        %cond3A_173 = arith.cmpi ne, %convert_element_type3A_171, %cond3A_172 : i32
        scf.if %cond3A_173 {
          %dma_wait3A_181 = arith.constant 2 : i32
          %dma_wait3A_182 = arith.constant 2 : i32
          %dma_wait3A_183 = arith.constant 0 : i32
          %dma_wait3A_184 = arith.constant 0 : i32
          %dma_wait3A_185 = arith.constant 0 : i32
          %dma_wait3A_186 = tpu.memref_slice %arg7[%dma_wait3A_181, %dma_wait3A_184, %dma_wait3A_185] : memref<3x80x128xf32, #tpu.memory_space<vmem>> -> memref<1x80x128xf32, #tpu.memory_space<vmem>>
          %dma_wait3A_187 = tpu.memref_squeeze %dma_wait3A_186 : memref<1x80x128xf32, #tpu.memory_space<vmem>> -> memref<80x128xf32, #tpu.memory_space<vmem>>
          %dma_wait3A_188 = arith.constant 0 : i32
          %dma_wait3A_189 = tpu.memref_slice %arg6[%dma_wait3A_182, %dma_wait3A_183, %dma_wait3A_188] : memref<3x1x80xi32, #tpu.memory_space<vmem>> -> memref<1x1x80xi32, #tpu.memory_space<vmem>>
          %dma_wait3A_190 = tpu.memref_squeeze %dma_wait3A_189 : memref<1x1x80xi32, #tpu.memory_space<vmem>> -> memref<80xi32, #tpu.memory_space<vmem>>
          %dma_wait3A_191 = arith.constant 0 : i32
          %dma_wait3A_192 = arith.constant 0 : i32
          %dma_wait3A_193 = tpu.memref_slice %arg8[%dma_wait3A_191, %dma_wait3A_192] : memref<10000x128xf32, #tpu.memory_space<vmem_shared>> -> memref<10000x128xf32, #tpu.memory_space<vmem_shared>>
          tpu.wait_indirect_dma semaphore(%arg14 : memref<!tpu.dma_semaphore, #tpu.memory_space<semaphore_mem>>) src(%dma_wait3A_187 : memref<80x128xf32, #tpu.memory_space<vmem>>) dst(%dma_wait3A_193 : memref<10000x128xf32, #tpu.memory_space<vmem_shared>>)
        } else {
        }
        %add3A_174 = arith.constant 2 : i32
        %add3A_175 = arith.addi %add3A_101, %add3A_174 : i32
        %lt3A_176 = arith.constant 50 : i32
        %lt3A_177 = arith.cmpi slt, %add3A_175, %lt3A_176 : i32
        %convert_element_type3A_178 = arith.extui %lt3A_177 : i1 to i32
        %cond3A_179 = arith.constant 0 : i32
        %cond3A_180 = arith.cmpi ne, %convert_element_type3A_178, %cond3A_179 : i32
        scf.if %cond3A_180 {
          %add3A_181 = arith.constant 2 : i32
          %add3A_182 = arith.addi %add3A_101, %add3A_181 : i32
          %mul3A_183 = arith.constant 4000 : i32
          %mul3A_184 = arith.muli %arg1, %mul3A_183 : i32
          %mul3A_185 = arith.constant 80 : i32
          %mul3A_186 = arith.muli %add3A_182, %mul3A_185 : i32
          %add3A_187 = arith.addi %mul3A_184, %mul3A_186 : i32
          %dma_start3A_188 = arith.constant 2 : i32
          %dma_start3A_189 = arith.constant 0 : i32
          %dma_start3A_190 = arith.constant 0 : i32
          %dma_start3A_191 = tpu.memref_slice %arg7[%dma_start3A_188, %dma_start3A_189, %dma_start3A_190] : memref<3x80x128xf32, #tpu.memory_space<vmem>> -> memref<1x80x128xf32, #tpu.memory_space<vmem>>
          %dma_start3A_192 = tpu.memref_squeeze %dma_start3A_191 : memref<1x80x128xf32, #tpu.memory_space<vmem>> -> memref<80x128xf32, #tpu.memory_space<vmem>>
          %dma_start3A_193 = arith.constant 0 : i32
          %dma_start3A_194 = tpu.memref_slice %arg2[%arg0, %add3A_187, %dma_start3A_193] : memref<2x64000x128xf32, #tpu.memory_space<hbm>> -> memref<1x80x128xf32, #tpu.memory_space<hbm>>
          %dma_start3A_195 = tpu.memref_squeeze %dma_start3A_194 : memref<1x80x128xf32, #tpu.memory_space<hbm>> -> memref<80x128xf32, #tpu.memory_space<hbm>>
          %dma_start3A_196 = arith.constant 0 : i32
          %dma_start3A_197 = arith.constant 0 : i32
          %dma_start3A_198 = tpu.memref_slice %arg7[%dma_start3A_188, %dma_start3A_196, %dma_start3A_197] : memref<3x80x128xf32, #tpu.memory_space<vmem>> -> memref<1x80x128xf32, #tpu.memory_space<vmem>>
          %dma_start3A_199 = tpu.memref_squeeze %dma_start3A_198 : memref<1x80x128xf32, #tpu.memory_space<vmem>> -> memref<80x128xf32, #tpu.memory_space<vmem>>
          %dma_start3A_200 = arith.constant 0 : i32
          %dma_start3A_201 = tpu.memref_slice %arg2[%arg0, %add3A_187, %dma_start3A_200] : memref<2x64000x128xf32, #tpu.memory_space<hbm>> -> memref<1x80x128xf32, #tpu.memory_space<hbm>>
          %dma_start3A_202 = tpu.memref_squeeze %dma_start3A_201 : memref<1x80x128xf32, #tpu.memory_space<hbm>> -> memref<80x128xf32, #tpu.memory_space<hbm>>
          tpu.enqueue_dma source(%dma_start3A_202 : memref<80x128xf32, #tpu.memory_space<hbm>>) target(%dma_start3A_199 : memref<80x128xf32, #tpu.memory_space<vmem>>) target_semaphore(%arg11 : memref<!tpu.dma_semaphore, #tpu.memory_space<semaphore_mem>>)
          %dma_start3A_203 = arith.constant 2 : i32
          %dma_start3A_204 = arith.constant 0 : i32
          %dma_start3A_205 = arith.constant 0 : i32
          %dma_start3A_206 = tpu.memref_slice %arg6[%dma_start3A_203, %dma_start3A_204, %dma_start3A_205] : memref<3x1x80xi32, #tpu.memory_space<vmem>> -> memref<1x1x80xi32, #tpu.memory_space<vmem>>
          %dma_start3A_207 = tpu.memref_squeeze %dma_start3A_206 : memref<1x1x80xi32, #tpu.memory_space<vmem>> -> memref<1x80xi32, #tpu.memory_space<vmem>>
          %dma_start3A_208 = arith.constant 0 : i32
          %dma_start3A_209 = arith.constant 0 : i32
          %dma_start3A_210 = tpu.memref_slice %arg3[%arg1, %add3A_182, %dma_start3A_208, %dma_start3A_209] : memref<16x50x1x80xi32, #tpu.memory_space<hbm>> -> memref<1x1x1x80xi32, #tpu.memory_space<hbm>>
          %dma_start3A_211 = tpu.memref_squeeze %dma_start3A_210 : memref<1x1x1x80xi32, #tpu.memory_space<hbm>> -> memref<1x80xi32, #tpu.memory_space<hbm>>
          %dma_start3A_212 = arith.constant 0 : i32
          %dma_start3A_213 = arith.constant 0 : i32
          %dma_start3A_214 = tpu.memref_slice %arg6[%dma_start3A_203, %dma_start3A_212, %dma_start3A_213] : memref<3x1x80xi32, #tpu.memory_space<vmem>> -> memref<1x1x80xi32, #tpu.memory_space<vmem>>
          %dma_start3A_215 = tpu.memref_squeeze %dma_start3A_214 : memref<1x1x80xi32, #tpu.memory_space<vmem>> -> memref<1x80xi32, #tpu.memory_space<vmem>>
          %dma_start3A_216 = arith.constant 0 : i32
          %dma_start3A_217 = arith.constant 0 : i32
          %dma_start3A_218 = tpu.memref_slice %arg3[%arg1, %add3A_182, %dma_start3A_216, %dma_start3A_217] : memref<16x50x1x80xi32, #tpu.memory_space<hbm>> -> memref<1x1x1x80xi32, #tpu.memory_space<hbm>>
          %dma_start3A_219 = tpu.memref_squeeze %dma_start3A_218 : memref<1x1x1x80xi32, #tpu.memory_space<hbm>> -> memref<1x80xi32, #tpu.memory_space<hbm>>
          tpu.enqueue_dma source(%dma_start3A_219 : memref<1x80xi32, #tpu.memory_space<hbm>>) target(%dma_start3A_215 : memref<1x80xi32, #tpu.memory_space<vmem>>) target_semaphore(%arg11 : memref<!tpu.dma_semaphore, #tpu.memory_space<semaphore_mem>>)
        } else {
        }
      } else {
      }
      %mul3A_104 = arith.constant 3 : i32
      %mul3A_105 = arith.muli %mul3A_104, %scan3A_97 : i32
      %add3A_106 = arith.constant 1 : i32
      %add3A_107 = arith.addi %mul3A_105, %add3A_106 : i32
      %lt3A_108 = arith.constant 50 : i32
      %lt3A_109 = arith.cmpi slt, %add3A_107, %lt3A_108 : i32
      %convert_element_type3A_110 = arith.extui %lt3A_109 : i1 to i32
      %cond3A_111 = arith.constant 0 : i32
      %cond3A_112 = arith.cmpi ne, %convert_element_type3A_110, %cond3A_111 : i32
      scf.if %cond3A_112 {
        %mul3A_122 = arith.constant 4000 : i32
        %mul3A_123 = arith.muli %arg1, %mul3A_122 : i32
        %dma_wait3A_124 = arith.constant 1 : i32
        %dma_wait3A_125 = arith.constant 0 : i32
        %dma_wait3A_126 = arith.constant 0 : i32
        %dma_wait3A_127 = tpu.memref_slice %arg7[%dma_wait3A_124, %dma_wait3A_125, %dma_wait3A_126] : memref<3x80x128xf32, #tpu.memory_space<vmem>> -> memref<1x80x128xf32, #tpu.memory_space<vmem>>
        %dma_wait3A_128 = tpu.memref_squeeze %dma_wait3A_127 : memref<1x80x128xf32, #tpu.memory_space<vmem>> -> memref<80x128xf32, #tpu.memory_space<vmem>>
        %dma_wait3A_129 = arith.constant 0 : i32
        %dma_wait3A_130 = tpu.memref_slice %arg2[%arg0, %mul3A_123, %dma_wait3A_129] : memref<2x64000x128xf32, #tpu.memory_space<hbm>> -> memref<1x80x128xf32, #tpu.memory_space<hbm>>
        %dma_wait3A_131 = tpu.memref_squeeze %dma_wait3A_130 : memref<1x80x128xf32, #tpu.memory_space<hbm>> -> memref<80x128xf32, #tpu.memory_space<hbm>>
        %dma_wait3A_132 = arith.constant 0 : i32
        %dma_wait3A_133 = arith.constant 0 : i32
        %dma_wait3A_134 = tpu.memref_slice %arg7[%dma_wait3A_124, %dma_wait3A_132, %dma_wait3A_133] : memref<3x80x128xf32, #tpu.memory_space<vmem>> -> memref<1x80x128xf32, #tpu.memory_space<vmem>>
        %dma_wait3A_135 = tpu.memref_squeeze %dma_wait3A_134 : memref<1x80x128xf32, #tpu.memory_space<vmem>> -> memref<80x128xf32, #tpu.memory_space<vmem>>
        %dma_wait3A_136 = arith.constant 0 : i32
        %dma_wait3A_137 = tpu.memref_slice %arg2[%arg0, %mul3A_123, %dma_wait3A_136] : memref<2x64000x128xf32, #tpu.memory_space<hbm>> -> memref<1x80x128xf32, #tpu.memory_space<hbm>>
        %dma_wait3A_138 = tpu.memref_squeeze %dma_wait3A_137 : memref<1x80x128xf32, #tpu.memory_space<hbm>> -> memref<80x128xf32, #tpu.memory_space<hbm>>
        tpu.wait_dma2 semaphore(%arg10 : memref<!tpu.dma_semaphore, #tpu.memory_space<semaphore_mem>>) src(%dma_wait3A_138 : memref<80x128xf32, #tpu.memory_space<hbm>>) dst(%dma_wait3A_135 : memref<80x128xf32, #tpu.memory_space<vmem>>)
        %dma_wait3A_139 = arith.constant 0 : i32
        %dma_wait3A_140 = arith.constant 1 : i32
        %dma_wait3A_141 = arith.constant 0 : i32
        %dma_wait3A_142 = arith.constant 0 : i32
        %dma_wait3A_143 = tpu.memref_slice %arg6[%dma_wait3A_140, %dma_wait3A_141, %dma_wait3A_142] : memref<3x1x80xi32, #tpu.memory_space<vmem>> -> memref<1x1x80xi32, #tpu.memory_space<vmem>>
        %dma_wait3A_144 = tpu.memref_squeeze %dma_wait3A_143 : memref<1x1x80xi32, #tpu.memory_space<vmem>> -> memref<1x80xi32, #tpu.memory_space<vmem>>
        %dma_wait3A_145 = arith.constant 0 : i32
        %dma_wait3A_146 = arith.constant 0 : i32
        %dma_wait3A_147 = tpu.memref_slice %arg3[%arg1, %dma_wait3A_139, %dma_wait3A_145, %dma_wait3A_146] : memref<16x50x1x80xi32, #tpu.memory_space<hbm>> -> memref<1x1x1x80xi32, #tpu.memory_space<hbm>>
        %dma_wait3A_148 = tpu.memref_squeeze %dma_wait3A_147 : memref<1x1x1x80xi32, #tpu.memory_space<hbm>> -> memref<1x80xi32, #tpu.memory_space<hbm>>
        %dma_wait3A_149 = arith.constant 0 : i32
        %dma_wait3A_150 = arith.constant 0 : i32
        %dma_wait3A_151 = tpu.memref_slice %arg6[%dma_wait3A_140, %dma_wait3A_149, %dma_wait3A_150] : memref<3x1x80xi32, #tpu.memory_space<vmem>> -> memref<1x1x80xi32, #tpu.memory_space<vmem>>
        %dma_wait3A_152 = tpu.memref_squeeze %dma_wait3A_151 : memref<1x1x80xi32, #tpu.memory_space<vmem>> -> memref<1x80xi32, #tpu.memory_space<vmem>>
        %dma_wait3A_153 = arith.constant 0 : i32
        %dma_wait3A_154 = arith.constant 0 : i32
        %dma_wait3A_155 = tpu.memref_slice %arg3[%arg1, %dma_wait3A_139, %dma_wait3A_153, %dma_wait3A_154] : memref<16x50x1x80xi32, #tpu.memory_space<hbm>> -> memref<1x1x1x80xi32, #tpu.memory_space<hbm>>
        %dma_wait3A_156 = tpu.memref_squeeze %dma_wait3A_155 : memref<1x1x1x80xi32, #tpu.memory_space<hbm>> -> memref<1x80xi32, #tpu.memory_space<hbm>>
        tpu.wait_dma2 semaphore(%arg10 : memref<!tpu.dma_semaphore, #tpu.memory_space<semaphore_mem>>) src(%dma_wait3A_156 : memref<1x80xi32, #tpu.memory_space<hbm>>) dst(%dma_wait3A_152 : memref<1x80xi32, #tpu.memory_space<vmem>>)
        %dma_start3A_157 = arith.constant 1 : i32
        %dma_start3A_158 = arith.constant 1 : i32
        %dma_start3A_159 = arith.constant 0 : i32
        %dma_start3A_160 = arith.constant 0 : i32
        %dma_start3A_161 = arith.constant 0 : i32
        %dma_start3A_162 = tpu.memref_slice %arg7[%dma_start3A_157, %dma_start3A_160, %dma_start3A_161] : memref<3x80x128xf32, #tpu.memory_space<vmem>> -> memref<1x80x128xf32, #tpu.memory_space<vmem>>
        %dma_start3A_163 = tpu.memref_squeeze %dma_start3A_162 : memref<1x80x128xf32, #tpu.memory_space<vmem>> -> memref<80x128xf32, #tpu.memory_space<vmem>>
        %dma_start3A_164 = arith.constant 0 : i32
        %dma_start3A_165 = tpu.memref_slice %arg6[%dma_start3A_158, %dma_start3A_159, %dma_start3A_164] : memref<3x1x80xi32, #tpu.memory_space<vmem>> -> memref<1x1x80xi32, #tpu.memory_space<vmem>>
        %dma_start3A_166 = tpu.memref_squeeze %dma_start3A_165 : memref<1x1x80xi32, #tpu.memory_space<vmem>> -> memref<80xi32, #tpu.memory_space<vmem>>
        %dma_start3A_167 = arith.constant 0 : i32
        %dma_start3A_168 = arith.constant 0 : i32
        %dma_start3A_169 = tpu.memref_slice %arg8[%dma_start3A_167, %dma_start3A_168] : memref<10000x128xf32, #tpu.memory_space<vmem_shared>> -> memref<10000x128xf32, #tpu.memory_space<vmem_shared>>
        tpu.enqueue_indirect_dma source(%dma_start3A_163 : memref<80x128xf32, #tpu.memory_space<vmem>>) target(%dma_start3A_169 : memref<10000x128xf32, #tpu.memory_space<vmem_shared>>) offsets(%dma_start3A_166 : memref<80xi32, #tpu.memory_space<vmem>>) semaphore(%arg13 : memref<!tpu.dma_semaphore, #tpu.memory_space<semaphore_mem>>) {add = true}
        %ge3A = arith.constant 1 : i32
        %ge3A_170 = arith.cmpi sge, %add3A_107, %ge3A : i32
        %convert_element_type3A_171 = arith.extui %ge3A_170 : i1 to i32
        %cond3A_172 = arith.constant 0 : i32
        %cond3A_173 = arith.cmpi ne, %convert_element_type3A_171, %cond3A_172 : i32
        scf.if %cond3A_173 {
          %dma_wait3A_181 = arith.constant 0 : i32
          %dma_wait3A_182 = arith.constant 0 : i32
          %dma_wait3A_183 = arith.constant 0 : i32
          %dma_wait3A_184 = arith.constant 0 : i32
          %dma_wait3A_185 = arith.constant 0 : i32
          %dma_wait3A_186 = tpu.memref_slice %arg7[%dma_wait3A_181, %dma_wait3A_184, %dma_wait3A_185] : memref<3x80x128xf32, #tpu.memory_space<vmem>> -> memref<1x80x128xf32, #tpu.memory_space<vmem>>
          %dma_wait3A_187 = tpu.memref_squeeze %dma_wait3A_186 : memref<1x80x128xf32, #tpu.memory_space<vmem>> -> memref<80x128xf32, #tpu.memory_space<vmem>>
          %dma_wait3A_188 = arith.constant 0 : i32
          %dma_wait3A_189 = tpu.memref_slice %arg6[%dma_wait3A_182, %dma_wait3A_183, %dma_wait3A_188] : memref<3x1x80xi32, #tpu.memory_space<vmem>> -> memref<1x1x80xi32, #tpu.memory_space<vmem>>
          %dma_wait3A_190 = tpu.memref_squeeze %dma_wait3A_189 : memref<1x1x80xi32, #tpu.memory_space<vmem>> -> memref<80xi32, #tpu.memory_space<vmem>>
          %dma_wait3A_191 = arith.constant 0 : i32
          %dma_wait3A_192 = arith.constant 0 : i32
          %dma_wait3A_193 = tpu.memref_slice %arg8[%dma_wait3A_191, %dma_wait3A_192] : memref<10000x128xf32, #tpu.memory_space<vmem_shared>> -> memref<10000x128xf32, #tpu.memory_space<vmem_shared>>
          tpu.wait_indirect_dma semaphore(%arg12 : memref<!tpu.dma_semaphore, #tpu.memory_space<semaphore_mem>>) src(%dma_wait3A_187 : memref<80x128xf32, #tpu.memory_space<vmem>>) dst(%dma_wait3A_193 : memref<10000x128xf32, #tpu.memory_space<vmem_shared>>)
        } else {
        }
        %add3A_174 = arith.constant 2 : i32
        %add3A_175 = arith.addi %add3A_107, %add3A_174 : i32
        %lt3A_176 = arith.constant 50 : i32
        %lt3A_177 = arith.cmpi slt, %add3A_175, %lt3A_176 : i32
        %convert_element_type3A_178 = arith.extui %lt3A_177 : i1 to i32
        %cond3A_179 = arith.constant 0 : i32
        %cond3A_180 = arith.cmpi ne, %convert_element_type3A_178, %cond3A_179 : i32
        scf.if %cond3A_180 {
          %add3A_181 = arith.constant 2 : i32
          %add3A_182 = arith.addi %add3A_107, %add3A_181 : i32
          %mul3A_183 = arith.constant 4000 : i32
          %mul3A_184 = arith.muli %arg1, %mul3A_183 : i32
          %mul3A_185 = arith.constant 80 : i32
          %mul3A_186 = arith.muli %add3A_182, %mul3A_185 : i32
          %add3A_187 = arith.addi %mul3A_184, %mul3A_186 : i32
          %dma_start3A_188 = arith.constant 0 : i32
          %dma_start3A_189 = arith.constant 0 : i32
          %dma_start3A_190 = arith.constant 0 : i32
          %dma_start3A_191 = tpu.memref_slice %arg7[%dma_start3A_188, %dma_start3A_189, %dma_start3A_190] : memref<3x80x128xf32, #tpu.memory_space<vmem>> -> memref<1x80x128xf32, #tpu.memory_space<vmem>>
          %dma_start3A_192 = tpu.memref_squeeze %dma_start3A_191 : memref<1x80x128xf32, #tpu.memory_space<vmem>> -> memref<80x128xf32, #tpu.memory_space<vmem>>
          %dma_start3A_193 = arith.constant 0 : i32
          %dma_start3A_194 = tpu.memref_slice %arg2[%arg0, %add3A_187, %dma_start3A_193] : memref<2x64000x128xf32, #tpu.memory_space<hbm>> -> memref<1x80x128xf32, #tpu.memory_space<hbm>>
          %dma_start3A_195 = tpu.memref_squeeze %dma_start3A_194 : memref<1x80x128xf32, #tpu.memory_space<hbm>> -> memref<80x128xf32, #tpu.memory_space<hbm>>
          %dma_start3A_196 = arith.constant 0 : i32
          %dma_start3A_197 = arith.constant 0 : i32
          %dma_start3A_198 = tpu.memref_slice %arg7[%dma_start3A_188, %dma_start3A_196, %dma_start3A_197] : memref<3x80x128xf32, #tpu.memory_space<vmem>> -> memref<1x80x128xf32, #tpu.memory_space<vmem>>
          %dma_start3A_199 = tpu.memref_squeeze %dma_start3A_198 : memref<1x80x128xf32, #tpu.memory_space<vmem>> -> memref<80x128xf32, #tpu.memory_space<vmem>>
          %dma_start3A_200 = arith.constant 0 : i32
          %dma_start3A_201 = tpu.memref_slice %arg2[%arg0, %add3A_187, %dma_start3A_200] : memref<2x64000x128xf32, #tpu.memory_space<hbm>> -> memref<1x80x128xf32, #tpu.memory_space<hbm>>
          %dma_start3A_202 = tpu.memref_squeeze %dma_start3A_201 : memref<1x80x128xf32, #tpu.memory_space<hbm>> -> memref<80x128xf32, #tpu.memory_space<hbm>>
          tpu.enqueue_dma source(%dma_start3A_202 : memref<80x128xf32, #tpu.memory_space<hbm>>) target(%dma_start3A_199 : memref<80x128xf32, #tpu.memory_space<vmem>>) target_semaphore(%arg9 : memref<!tpu.dma_semaphore, #tpu.memory_space<semaphore_mem>>)
          %dma_start3A_203 = arith.constant 0 : i32
          %dma_start3A_204 = arith.constant 0 : i32
          %dma_start3A_205 = arith.constant 0 : i32
          %dma_start3A_206 = tpu.memref_slice %arg6[%dma_start3A_203, %dma_start3A_204, %dma_start3A_205] : memref<3x1x80xi32, #tpu.memory_space<vmem>> -> memref<1x1x80xi32, #tpu.memory_space<vmem>>
          %dma_start3A_207 = tpu.memref_squeeze %dma_start3A_206 : memref<1x1x80xi32, #tpu.memory_space<vmem>> -> memref<1x80xi32, #tpu.memory_space<vmem>>
          %dma_start3A_208 = arith.constant 0 : i32
          %dma_start3A_209 = arith.constant 0 : i32
          %dma_start3A_210 = tpu.memref_slice %arg3[%arg1, %add3A_182, %dma_start3A_208, %dma_start3A_209] : memref<16x50x1x80xi32, #tpu.memory_space<hbm>> -> memref<1x1x1x80xi32, #tpu.memory_space<hbm>>
          %dma_start3A_211 = tpu.memref_squeeze %dma_start3A_210 : memref<1x1x1x80xi32, #tpu.memory_space<hbm>> -> memref<1x80xi32, #tpu.memory_space<hbm>>
          %dma_start3A_212 = arith.constant 0 : i32
          %dma_start3A_213 = arith.constant 0 : i32
          %dma_start3A_214 = tpu.memref_slice %arg6[%dma_start3A_203, %dma_start3A_212, %dma_start3A_213] : memref<3x1x80xi32, #tpu.memory_space<vmem>> -> memref<1x1x80xi32, #tpu.memory_space<vmem>>
          %dma_start3A_215 = tpu.memref_squeeze %dma_start3A_214 : memref<1x1x80xi32, #tpu.memory_space<vmem>> -> memref<1x80xi32, #tpu.memory_space<vmem>>
          %dma_start3A_216 = arith.constant 0 : i32
          %dma_start3A_217 = arith.constant 0 : i32
          %dma_start3A_218 = tpu.memref_slice %arg3[%arg1, %add3A_182, %dma_start3A_216, %dma_start3A_217] : memref<16x50x1x80xi32, #tpu.memory_space<hbm>> -> memref<1x1x1x80xi32, #tpu.memory_space<hbm>>
          %dma_start3A_219 = tpu.memref_squeeze %dma_start3A_218 : memref<1x1x1x80xi32, #tpu.memory_space<hbm>> -> memref<1x80xi32, #tpu.memory_space<hbm>>
          tpu.enqueue_dma source(%dma_start3A_219 : memref<1x80xi32, #tpu.memory_space<hbm>>) target(%dma_start3A_215 : memref<1x80xi32, #tpu.memory_space<vmem>>) target_semaphore(%arg9 : memref<!tpu.dma_semaphore, #tpu.memory_space<semaphore_mem>>)
        } else {
        }
      } else {
      }
      %mul3A_113 = arith.constant 3 : i32
      %mul3A_114 = arith.muli %mul3A_113, %scan3A_97 : i32
      %add3A_115 = arith.constant 2 : i32
      %add3A_116 = arith.addi %mul3A_114, %add3A_115 : i32
      %lt3A_117 = arith.constant 50 : i32
      %lt3A_118 = arith.cmpi slt, %add3A_116, %lt3A_117 : i32
      %convert_element_type3A_119 = arith.extui %lt3A_118 : i1 to i32
      %cond3A_120 = arith.constant 0 : i32
      %cond3A_121 = arith.cmpi ne, %convert_element_type3A_119, %cond3A_120 : i32
      scf.if %cond3A_121 {
        %mul3A_122 = arith.constant 4000 : i32
        %mul3A_123 = arith.muli %arg1, %mul3A_122 : i32
        %dma_wait3A_124 = arith.constant 2 : i32
        %dma_wait3A_125 = arith.constant 0 : i32
        %dma_wait3A_126 = arith.constant 0 : i32
        %dma_wait3A_127 = tpu.memref_slice %arg7[%dma_wait3A_124, %dma_wait3A_125, %dma_wait3A_126] : memref<3x80x128xf32, #tpu.memory_space<vmem>> -> memref<1x80x128xf32, #tpu.memory_space<vmem>>
        %dma_wait3A_128 = tpu.memref_squeeze %dma_wait3A_127 : memref<1x80x128xf32, #tpu.memory_space<vmem>> -> memref<80x128xf32, #tpu.memory_space<vmem>>
        %dma_wait3A_129 = arith.constant 0 : i32
        %dma_wait3A_130 = tpu.memref_slice %arg2[%arg0, %mul3A_123, %dma_wait3A_129] : memref<2x64000x128xf32, #tpu.memory_space<hbm>> -> memref<1x80x128xf32, #tpu.memory_space<hbm>>
        %dma_wait3A_131 = tpu.memref_squeeze %dma_wait3A_130 : memref<1x80x128xf32, #tpu.memory_space<hbm>> -> memref<80x128xf32, #tpu.memory_space<hbm>>
        %dma_wait3A_132 = arith.constant 0 : i32
        %dma_wait3A_133 = arith.constant 0 : i32
        %dma_wait3A_134 = tpu.memref_slice %arg7[%dma_wait3A_124, %dma_wait3A_132, %dma_wait3A_133] : memref<3x80x128xf32, #tpu.memory_space<vmem>> -> memref<1x80x128xf32, #tpu.memory_space<vmem>>
        %dma_wait3A_135 = tpu.memref_squeeze %dma_wait3A_134 : memref<1x80x128xf32, #tpu.memory_space<vmem>> -> memref<80x128xf32, #tpu.memory_space<vmem>>
        %dma_wait3A_136 = arith.constant 0 : i32
        %dma_wait3A_137 = tpu.memref_slice %arg2[%arg0, %mul3A_123, %dma_wait3A_136] : memref<2x64000x128xf32, #tpu.memory_space<hbm>> -> memref<1x80x128xf32, #tpu.memory_space<hbm>>
        %dma_wait3A_138 = tpu.memref_squeeze %dma_wait3A_137 : memref<1x80x128xf32, #tpu.memory_space<hbm>> -> memref<80x128xf32, #tpu.memory_space<hbm>>
        tpu.wait_dma2 semaphore(%arg11 : memref<!tpu.dma_semaphore, #tpu.memory_space<semaphore_mem>>) src(%dma_wait3A_138 : memref<80x128xf32, #tpu.memory_space<hbm>>) dst(%dma_wait3A_135 : memref<80x128xf32, #tpu.memory_space<vmem>>)
        %dma_wait3A_139 = arith.constant 0 : i32
        %dma_wait3A_140 = arith.constant 2 : i32
        %dma_wait3A_141 = arith.constant 0 : i32
        %dma_wait3A_142 = arith.constant 0 : i32
        %dma_wait3A_143 = tpu.memref_slice %arg6[%dma_wait3A_140, %dma_wait3A_141, %dma_wait3A_142] : memref<3x1x80xi32, #tpu.memory_space<vmem>> -> memref<1x1x80xi32, #tpu.memory_space<vmem>>
        %dma_wait3A_144 = tpu.memref_squeeze %dma_wait3A_143 : memref<1x1x80xi32, #tpu.memory_space<vmem>> -> memref<1x80xi32, #tpu.memory_space<vmem>>
        %dma_wait3A_145 = arith.constant 0 : i32
        %dma_wait3A_146 = arith.constant 0 : i32
        %dma_wait3A_147 = tpu.memref_slice %arg3[%arg1, %dma_wait3A_139, %dma_wait3A_145, %dma_wait3A_146] : memref<16x50x1x80xi32, #tpu.memory_space<hbm>> -> memref<1x1x1x80xi32, #tpu.memory_space<hbm>>
        %dma_wait3A_148 = tpu.memref_squeeze %dma_wait3A_147 : memref<1x1x1x80xi32, #tpu.memory_space<hbm>> -> memref<1x80xi32, #tpu.memory_space<hbm>>
        %dma_wait3A_149 = arith.constant 0 : i32
        %dma_wait3A_150 = arith.constant 0 : i32
        %dma_wait3A_151 = tpu.memref_slice %arg6[%dma_wait3A_140, %dma_wait3A_149, %dma_wait3A_150] : memref<3x1x80xi32, #tpu.memory_space<vmem>> -> memref<1x1x80xi32, #tpu.memory_space<vmem>>
        %dma_wait3A_152 = tpu.memref_squeeze %dma_wait3A_151 : memref<1x1x80xi32, #tpu.memory_space<vmem>> -> memref<1x80xi32, #tpu.memory_space<vmem>>
        %dma_wait3A_153 = arith.constant 0 : i32
        %dma_wait3A_154 = arith.constant 0 : i32
        %dma_wait3A_155 = tpu.memref_slice %arg3[%arg1, %dma_wait3A_139, %dma_wait3A_153, %dma_wait3A_154] : memref<16x50x1x80xi32, #tpu.memory_space<hbm>> -> memref<1x1x1x80xi32, #tpu.memory_space<hbm>>
        %dma_wait3A_156 = tpu.memref_squeeze %dma_wait3A_155 : memref<1x1x1x80xi32, #tpu.memory_space<hbm>> -> memref<1x80xi32, #tpu.memory_space<hbm>>
        tpu.wait_dma2 semaphore(%arg11 : memref<!tpu.dma_semaphore, #tpu.memory_space<semaphore_mem>>) src(%dma_wait3A_156 : memref<1x80xi32, #tpu.memory_space<hbm>>) dst(%dma_wait3A_152 : memref<1x80xi32, #tpu.memory_space<vmem>>)
        %dma_start3A_157 = arith.constant 2 : i32
        %dma_start3A_158 = arith.constant 2 : i32
        %dma_start3A_159 = arith.constant 0 : i32
        %dma_start3A_160 = arith.constant 0 : i32
        %dma_start3A_161 = arith.constant 0 : i32
        %dma_start3A_162 = tpu.memref_slice %arg7[%dma_start3A_157, %dma_start3A_160, %dma_start3A_161] : memref<3x80x128xf32, #tpu.memory_space<vmem>> -> memref<1x80x128xf32, #tpu.memory_space<vmem>>
        %dma_start3A_163 = tpu.memref_squeeze %dma_start3A_162 : memref<1x80x128xf32, #tpu.memory_space<vmem>> -> memref<80x128xf32, #tpu.memory_space<vmem>>
        %dma_start3A_164 = arith.constant 0 : i32
        %dma_start3A_165 = tpu.memref_slice %arg6[%dma_start3A_158, %dma_start3A_159, %dma_start3A_164] : memref<3x1x80xi32, #tpu.memory_space<vmem>> -> memref<1x1x80xi32, #tpu.memory_space<vmem>>
        %dma_start3A_166 = tpu.memref_squeeze %dma_start3A_165 : memref<1x1x80xi32, #tpu.memory_space<vmem>> -> memref<80xi32, #tpu.memory_space<vmem>>
        %dma_start3A_167 = arith.constant 0 : i32
        %dma_start3A_168 = arith.constant 0 : i32
        %dma_start3A_169 = tpu.memref_slice %arg8[%dma_start3A_167, %dma_start3A_168] : memref<10000x128xf32, #tpu.memory_space<vmem_shared>> -> memref<10000x128xf32, #tpu.memory_space<vmem_shared>>
        tpu.enqueue_indirect_dma source(%dma_start3A_163 : memref<80x128xf32, #tpu.memory_space<vmem>>) target(%dma_start3A_169 : memref<10000x128xf32, #tpu.memory_space<vmem_shared>>) offsets(%dma_start3A_166 : memref<80xi32, #tpu.memory_space<vmem>>) semaphore(%arg14 : memref<!tpu.dma_semaphore, #tpu.memory_space<semaphore_mem>>) {add = true}
        %ge3A = arith.constant 1 : i32
        %ge3A_170 = arith.cmpi sge, %add3A_116, %ge3A : i32
        %convert_element_type3A_171 = arith.extui %ge3A_170 : i1 to i32
        %cond3A_172 = arith.constant 0 : i32
        %cond3A_173 = arith.cmpi ne, %convert_element_type3A_171, %cond3A_172 : i32
        scf.if %cond3A_173 {
          %dma_wait3A_181 = arith.constant 1 : i32
          %dma_wait3A_182 = arith.constant 1 : i32
          %dma_wait3A_183 = arith.constant 0 : i32
          %dma_wait3A_184 = arith.constant 0 : i32
          %dma_wait3A_185 = arith.constant 0 : i32
          %dma_wait3A_186 = tpu.memref_slice %arg7[%dma_wait3A_181, %dma_wait3A_184, %dma_wait3A_185] : memref<3x80x128xf32, #tpu.memory_space<vmem>> -> memref<1x80x128xf32, #tpu.memory_space<vmem>>
          %dma_wait3A_187 = tpu.memref_squeeze %dma_wait3A_186 : memref<1x80x128xf32, #tpu.memory_space<vmem>> -> memref<80x128xf32, #tpu.memory_space<vmem>>
          %dma_wait3A_188 = arith.constant 0 : i32
          %dma_wait3A_189 = tpu.memref_slice %arg6[%dma_wait3A_182, %dma_wait3A_183, %dma_wait3A_188] : memref<3x1x80xi32, #tpu.memory_space<vmem>> -> memref<1x1x80xi32, #tpu.memory_space<vmem>>
          %dma_wait3A_190 = tpu.memref_squeeze %dma_wait3A_189 : memref<1x1x80xi32, #tpu.memory_space<vmem>> -> memref<80xi32, #tpu.memory_space<vmem>>
          %dma_wait3A_191 = arith.constant 0 : i32
          %dma_wait3A_192 = arith.constant 0 : i32
          %dma_wait3A_193 = tpu.memref_slice %arg8[%dma_wait3A_191, %dma_wait3A_192] : memref<10000x128xf32, #tpu.memory_space<vmem_shared>> -> memref<10000x128xf32, #tpu.memory_space<vmem_shared>>
          tpu.wait_indirect_dma semaphore(%arg13 : memref<!tpu.dma_semaphore, #tpu.memory_space<semaphore_mem>>) src(%dma_wait3A_187 : memref<80x128xf32, #tpu.memory_space<vmem>>) dst(%dma_wait3A_193 : memref<10000x128xf32, #tpu.memory_space<vmem_shared>>)
        } else {
        }
        %add3A_174 = arith.constant 2 : i32
        %add3A_175 = arith.addi %add3A_116, %add3A_174 : i32
        %lt3A_176 = arith.constant 50 : i32
        %lt3A_177 = arith.cmpi slt, %add3A_175, %lt3A_176 : i32
        %convert_element_type3A_178 = arith.extui %lt3A_177 : i1 to i32
        %cond3A_179 = arith.constant 0 : i32
        %cond3A_180 = arith.cmpi ne, %convert_element_type3A_178, %cond3A_179 : i32
        scf.if %cond3A_180 {
          %add3A_181 = arith.constant 2 : i32
          %add3A_182 = arith.addi %add3A_116, %add3A_181 : i32
          %mul3A_183 = arith.constant 4000 : i32
          %mul3A_184 = arith.muli %arg1, %mul3A_183 : i32
          %mul3A_185 = arith.constant 80 : i32
          %mul3A_186 = arith.muli %add3A_182, %mul3A_185 : i32
          %add3A_187 = arith.addi %mul3A_184, %mul3A_186 : i32
          %dma_start3A_188 = arith.constant 1 : i32
          %dma_start3A_189 = arith.constant 0 : i32
          %dma_start3A_190 = arith.constant 0 : i32
          %dma_start3A_191 = tpu.memref_slice %arg7[%dma_start3A_188, %dma_start3A_189, %dma_start3A_190] : memref<3x80x128xf32, #tpu.memory_space<vmem>> -> memref<1x80x128xf32, #tpu.memory_space<vmem>>
          %dma_start3A_192 = tpu.memref_squeeze %dma_start3A_191 : memref<1x80x128xf32, #tpu.memory_space<vmem>> -> memref<80x128xf32, #tpu.memory_space<vmem>>
          %dma_start3A_193 = arith.constant 0 : i32
          %dma_start3A_194 = tpu.memref_slice %arg2[%arg0, %add3A_187, %dma_start3A_193] : memref<2x64000x128xf32, #tpu.memory_space<hbm>> -> memref<1x80x128xf32, #tpu.memory_space<hbm>>
          %dma_start3A_195 = tpu.memref_squeeze %dma_start3A_194 : memref<1x80x128xf32, #tpu.memory_space<hbm>> -> memref<80x128xf32, #tpu.memory_space<hbm>>
          %dma_start3A_196 = arith.constant 0 : i32
          %dma_start3A_197 = arith.constant 0 : i32
          %dma_start3A_198 = tpu.memref_slice %arg7[%dma_start3A_188, %dma_start3A_196, %dma_start3A_197] : memref<3x80x128xf32, #tpu.memory_space<vmem>> -> memref<1x80x128xf32, #tpu.memory_space<vmem>>
          %dma_start3A_199 = tpu.memref_squeeze %dma_start3A_198 : memref<1x80x128xf32, #tpu.memory_space<vmem>> -> memref<80x128xf32, #tpu.memory_space<vmem>>
          %dma_start3A_200 = arith.constant 0 : i32
          %dma_start3A_201 = tpu.memref_slice %arg2[%arg0, %add3A_187, %dma_start3A_200] : memref<2x64000x128xf32, #tpu.memory_space<hbm>> -> memref<1x80x128xf32, #tpu.memory_space<hbm>>
          %dma_start3A_202 = tpu.memref_squeeze %dma_start3A_201 : memref<1x80x128xf32, #tpu.memory_space<hbm>> -> memref<80x128xf32, #tpu.memory_space<hbm>>
          tpu.enqueue_dma source(%dma_start3A_202 : memref<80x128xf32, #tpu.memory_space<hbm>>) target(%dma_start3A_199 : memref<80x128xf32, #tpu.memory_space<vmem>>) target_semaphore(%arg10 : memref<!tpu.dma_semaphore, #tpu.memory_space<semaphore_mem>>)
          %dma_start3A_203 = arith.constant 1 : i32
          %dma_start3A_204 = arith.constant 0 : i32
          %dma_start3A_205 = arith.constant 0 : i32
          %dma_start3A_206 = tpu.memref_slice %arg6[%dma_start3A_203, %dma_start3A_204, %dma_start3A_205] : memref<3x1x80xi32, #tpu.memory_space<vmem>> -> memref<1x1x80xi32, #tpu.memory_space<vmem>>
          %dma_start3A_207 = tpu.memref_squeeze %dma_start3A_206 : memref<1x1x80xi32, #tpu.memory_space<vmem>> -> memref<1x80xi32, #tpu.memory_space<vmem>>
          %dma_start3A_208 = arith.constant 0 : i32
          %dma_start3A_209 = arith.constant 0 : i32
          %dma_start3A_210 = tpu.memref_slice %arg3[%arg1, %add3A_182, %dma_start3A_208, %dma_start3A_209] : memref<16x50x1x80xi32, #tpu.memory_space<hbm>> -> memref<1x1x1x80xi32, #tpu.memory_space<hbm>>
          %dma_start3A_211 = tpu.memref_squeeze %dma_start3A_210 : memref<1x1x1x80xi32, #tpu.memory_space<hbm>> -> memref<1x80xi32, #tpu.memory_space<hbm>>
          %dma_start3A_212 = arith.constant 0 : i32
          %dma_start3A_213 = arith.constant 0 : i32
          %dma_start3A_214 = tpu.memref_slice %arg6[%dma_start3A_203, %dma_start3A_212, %dma_start3A_213] : memref<3x1x80xi32, #tpu.memory_space<vmem>> -> memref<1x1x80xi32, #tpu.memory_space<vmem>>
          %dma_start3A_215 = tpu.memref_squeeze %dma_start3A_214 : memref<1x1x80xi32, #tpu.memory_space<vmem>> -> memref<1x80xi32, #tpu.memory_space<vmem>>
          %dma_start3A_216 = arith.constant 0 : i32
          %dma_start3A_217 = arith.constant 0 : i32
          %dma_start3A_218 = tpu.memref_slice %arg3[%arg1, %add3A_182, %dma_start3A_216, %dma_start3A_217] : memref<16x50x1x80xi32, #tpu.memory_space<hbm>> -> memref<1x1x1x80xi32, #tpu.memory_space<hbm>>
          %dma_start3A_219 = tpu.memref_squeeze %dma_start3A_218 : memref<1x1x1x80xi32, #tpu.memory_space<hbm>> -> memref<1x80xi32, #tpu.memory_space<hbm>>
          tpu.enqueue_dma source(%dma_start3A_219 : memref<1x80xi32, #tpu.memory_space<hbm>>) target(%dma_start3A_215 : memref<1x80xi32, #tpu.memory_space<vmem>>) target_semaphore(%arg10 : memref<!tpu.dma_semaphore, #tpu.memory_space<semaphore_mem>>)
        } else {
        }
      } else {
      }
    }
    %scan3A_79 = arith.constant 17 : i32
    %dma_wait3A = arith.constant 1 : i32
    %dma_wait3A_80 = arith.constant 1 : i32
    %dma_wait3A_81 = arith.constant 0 : i32
    %dma_wait3A_82 = arith.constant 0 : i32
    %dma_wait3A_83 = arith.constant 0 : i32
    %dma_wait3A_84 = tpu.memref_slice %arg7[%dma_wait3A, %dma_wait3A_82, %dma_wait3A_83] : memref<3x80x128xf32, #tpu.memory_space<vmem>> -> memref<1x80x128xf32, #tpu.memory_space<vmem>>
    %dma_wait3A_85 = tpu.memref_squeeze %dma_wait3A_84 : memref<1x80x128xf32, #tpu.memory_space<vmem>> -> memref<80x128xf32, #tpu.memory_space<vmem>>
    %dma_wait3A_86 = arith.constant 0 : i32
    %dma_wait3A_87 = tpu.memref_slice %arg6[%dma_wait3A_80, %dma_wait3A_81, %dma_wait3A_86] : memref<3x1x80xi32, #tpu.memory_space<vmem>> -> memref<1x1x80xi32, #tpu.memory_space<vmem>>
    %dma_wait3A_88 = tpu.memref_squeeze %dma_wait3A_87 : memref<1x1x80xi32, #tpu.memory_space<vmem>> -> memref<80xi32, #tpu.memory_space<vmem>>
    %dma_wait3A_89 = arith.constant 0 : i32
    %dma_wait3A_90 = arith.constant 0 : i32
    %dma_wait3A_91 = tpu.memref_slice %arg8[%dma_wait3A_89, %dma_wait3A_90] : memref<10000x128xf32, #tpu.memory_space<vmem_shared>> -> memref<10000x128xf32, #tpu.memory_space<vmem_shared>>
    tpu.wait_indirect_dma semaphore(%arg13 : memref<!tpu.dma_semaphore, #tpu.memory_space<semaphore_mem>>) src(%dma_wait3A_85 : memref<80x128xf32, #tpu.memory_space<vmem>>) dst(%dma_wait3A_91 : memref<10000x128xf32, #tpu.memory_space<vmem_shared>>)
    %barrier3A_92 = arith.constant 0 : index
    tpu.barrier barrier_id(%barrier3A_92)
    %mul3A_93 = arith.constant 624 : i32
    %mul3A_94 = arith.muli %arg1, %mul3A_93 : i32
    %mul3A_95 = arith.constant 624 : i32
    %mul3A_96 = arith.muli %arg1, %mul3A_95 : i32
    "tpu.region"() ({
      %run_scoped3A = tpu.sem_alloc : memref<!tpu.dma_semaphore, #tpu.memory_space<semaphore_mem>>
      %dma_start3A_97 = arith.constant 0 : i32
      %dma_start3A_98 = tpu.memref_slice %arg5[%arg0, %mul3A_96, %dma_start3A_97] : memref<2x10000x128xf32, #tpu.memory_space<hbm>> -> memref<1x640x128xf32, #tpu.memory_space<hbm>>
      %dma_start3A_99 = tpu.memref_squeeze %dma_start3A_98 : memref<1x640x128xf32, #tpu.memory_space<hbm>> -> memref<640x128xf32, #tpu.memory_space<hbm>>
      %dma_start3A_100 = arith.constant 0 : i32
      %dma_start3A_101 = tpu.memref_slice %arg8[%mul3A_94, %dma_start3A_100] : memref<10000x128xf32, #tpu.memory_space<vmem_shared>> -> memref<640x128xf32, #tpu.memory_space<vmem_shared>>
      tpu.enqueue_dma source(%dma_start3A_101 : memref<640x128xf32, #tpu.memory_space<vmem_shared>>) target(%dma_start3A_99 : memref<640x128xf32, #tpu.memory_space<hbm>>) target_semaphore(%run_scoped3A : memref<!tpu.dma_semaphore, #tpu.memory_space<semaphore_mem>>)
      %dma_wait3A_102 = arith.constant 0 : i32
      %dma_wait3A_103 = tpu.memref_slice %arg5[%arg0, %mul3A_96, %dma_wait3A_102] : memref<2x10000x128xf32, #tpu.memory_space<hbm>> -> memref<1x640x128xf32, #tpu.memory_space<hbm>>
      %dma_wait3A_104 = tpu.memref_squeeze %dma_wait3A_103 : memref<1x640x128xf32, #tpu.memory_space<hbm>> -> memref<640x128xf32, #tpu.memory_space<hbm>>
      %dma_wait3A_105 = arith.constant 0 : i32
      %dma_wait3A_106 = tpu.memref_slice %arg8[%mul3A_94, %dma_wait3A_105] : memref<10000x128xf32, #tpu.memory_space<vmem_shared>> -> memref<640x128xf32, #tpu.memory_space<vmem_shared>>
      tpu.wait_dma2 semaphore(%run_scoped3A : memref<!tpu.dma_semaphore, #tpu.memory_space<semaphore_mem>>) src(%dma_wait3A_106 : memref<640x128xf32, #tpu.memory_space<vmem_shared>>) dst(%dma_wait3A_104 : memref<640x128xf32, #tpu.memory_space<hbm>>)
      tpu.yield
    }) : () -> ()
    return
  }
}

#map = affine_map<(d0, d1) -> (0, 0, 0)>
#map1 = affine_map<(d0, d1) -> (0, 0, 0, 0)>
#map2 = affine_map<(d0, d1) -> (0, 0)>
module attributes {stable_mosaic.version = 14 : i64} {
  func.func @_seg_body(%arg0: i32, %arg1: i32, %arg2: memref<2x96000x128xf32, #tpu.memory_space<hbm>>, %arg3: memref<16x75x1x80xi32, #tpu.memory_space<hbm>>, %arg4: memref<640x128xf32, #tpu.memory_space<hbm>>, %arg5: memref<2x10000x128xf32, #tpu.memory_space<hbm>>, %arg6: memref<3x1x80xi32, #tpu.memory_space<vmem>>, %arg7: memref<3x80x128xf32, #tpu.memory_space<vmem>>, %arg8: memref<10000x128xf32, #tpu.memory_space<vmem_shared>>, %arg9: memref<!tpu.dma_semaphore, #tpu.memory_space<semaphore_mem>>, %arg10: memref<!tpu.dma_semaphore, #tpu.memory_space<semaphore_mem>>, %arg11: memref<!tpu.dma_semaphore, #tpu.memory_space<semaphore_mem>>, %arg12: memref<!tpu.dma_semaphore, #tpu.memory_space<semaphore_mem>>, %arg13: memref<!tpu.dma_semaphore, #tpu.memory_space<semaphore_mem>>, %arg14: memref<!tpu.dma_semaphore, #tpu.memory_space<semaphore_mem>>) attributes {dimension_semantics = [#tpu.dimension_semantics<core_parallel>, #tpu.dimension_semantics<subcore_parallel>], iteration_bounds = array<i64: 2, 16>, scalar_prefetch = 0 : i64, scratch_operands = 9 : i64, tpu.core_type = #tpu.core_type<sc_vector_subcore>, window_params = [{transform_indices = #map}, {transform_indices = #map1}, {transform_indices = #map2}, {transform_indices = #map}]} {
    %mul3A = arith.constant 624 : i32
    %mul3A_0 = arith.muli %arg1, %mul3A : i32
    "tpu.region"() ({
      %run_scoped3A = tpu.sem_alloc : memref<!tpu.dma_semaphore, #tpu.memory_space<semaphore_mem>>
      %dma_start3A_95 = arith.constant 0 : i32
      %dma_start3A_96 = tpu.memref_slice %arg8[%mul3A_0, %dma_start3A_95] : memref<10000x128xf32, #tpu.memory_space<vmem_shared>> -> memref<640x128xf32, #tpu.memory_space<vmem_shared>>
      tpu.enqueue_dma source(%arg4 : memref<640x128xf32, #tpu.memory_space<hbm>>) target(%dma_start3A_96 : memref<640x128xf32, #tpu.memory_space<vmem_shared>>) target_semaphore(%run_scoped3A : memref<!tpu.dma_semaphore, #tpu.memory_space<semaphore_mem>>)
      %dma_wait3A_97 = arith.constant 0 : i32
      %dma_wait3A_98 = tpu.memref_slice %arg8[%mul3A_0, %dma_wait3A_97] : memref<10000x128xf32, #tpu.memory_space<vmem_shared>> -> memref<640x128xf32, #tpu.memory_space<vmem_shared>>
      tpu.wait_dma2 semaphore(%run_scoped3A : memref<!tpu.dma_semaphore, #tpu.memory_space<semaphore_mem>>) src(%arg4 : memref<640x128xf32, #tpu.memory_space<hbm>>) dst(%dma_wait3A_98 : memref<640x128xf32, #tpu.memory_space<vmem_shared>>)
      tpu.yield
    }) : () -> ()
    %mul3A_1 = arith.constant 6000 : i32
    %mul3A_2 = arith.muli %arg1, %mul3A_1 : i32
    %add3A = arith.constant 0 : i32
    %add3A_3 = arith.addi %mul3A_2, %add3A : i32
    %dma_start3A = arith.constant 0 : i32
    %dma_start3A_4 = arith.constant 0 : i32
    %dma_start3A_5 = arith.constant 0 : i32
    %dma_start3A_6 = tpu.memref_slice %arg7[%dma_start3A, %dma_start3A_4, %dma_start3A_5] : memref<3x80x128xf32, #tpu.memory_space<vmem>> -> memref<1x80x128xf32, #tpu.memory_space<vmem>>
    %dma_start3A_7 = tpu.memref_squeeze %dma_start3A_6 : memref<1x80x128xf32, #tpu.memory_space<vmem>> -> memref<80x128xf32, #tpu.memory_space<vmem>>
    %dma_start3A_8 = arith.constant 0 : i32
    %dma_start3A_9 = tpu.memref_slice %arg2[%arg0, %add3A_3, %dma_start3A_8] : memref<2x96000x128xf32, #tpu.memory_space<hbm>> -> memref<1x80x128xf32, #tpu.memory_space<hbm>>
    %dma_start3A_10 = tpu.memref_squeeze %dma_start3A_9 : memref<1x80x128xf32, #tpu.memory_space<hbm>> -> memref<80x128xf32, #tpu.memory_space<hbm>>
    %dma_start3A_11 = arith.constant 0 : i32
    %dma_start3A_12 = arith.constant 0 : i32
    %dma_start3A_13 = tpu.memref_slice %arg7[%dma_start3A, %dma_start3A_11, %dma_start3A_12] : memref<3x80x128xf32, #tpu.memory_space<vmem>> -> memref<1x80x128xf32, #tpu.memory_space<vmem>>
    %dma_start3A_14 = tpu.memref_squeeze %dma_start3A_13 : memref<1x80x128xf32, #tpu.memory_space<vmem>> -> memref<80x128xf32, #tpu.memory_space<vmem>>
    %dma_start3A_15 = arith.constant 0 : i32
    %dma_start3A_16 = tpu.memref_slice %arg2[%arg0, %add3A_3, %dma_start3A_15] : memref<2x96000x128xf32, #tpu.memory_space<hbm>> -> memref<1x80x128xf32, #tpu.memory_space<hbm>>
    %dma_start3A_17 = tpu.memref_squeeze %dma_start3A_16 : memref<1x80x128xf32, #tpu.memory_space<hbm>> -> memref<80x128xf32, #tpu.memory_space<hbm>>
    tpu.enqueue_dma source(%dma_start3A_17 : memref<80x128xf32, #tpu.memory_space<hbm>>) target(%dma_start3A_14 : memref<80x128xf32, #tpu.memory_space<vmem>>) target_semaphore(%arg9 : memref<!tpu.dma_semaphore, #tpu.memory_space<semaphore_mem>>)
    %dma_start3A_18 = arith.constant 0 : i32
    %dma_start3A_19 = arith.constant 0 : i32
    %dma_start3A_20 = arith.constant 0 : i32
    %dma_start3A_21 = arith.constant 0 : i32
    %dma_start3A_22 = tpu.memref_slice %arg6[%dma_start3A_19, %dma_start3A_20, %dma_start3A_21] : memref<3x1x80xi32, #tpu.memory_space<vmem>> -> memref<1x1x80xi32, #tpu.memory_space<vmem>>
    %dma_start3A_23 = tpu.memref_squeeze %dma_start3A_22 : memref<1x1x80xi32, #tpu.memory_space<vmem>> -> memref<1x80xi32, #tpu.memory_space<vmem>>
    %dma_start3A_24 = arith.constant 0 : i32
    %dma_start3A_25 = arith.constant 0 : i32
    %dma_start3A_26 = tpu.memref_slice %arg3[%arg1, %dma_start3A_18, %dma_start3A_24, %dma_start3A_25] : memref<16x75x1x80xi32, #tpu.memory_space<hbm>> -> memref<1x1x1x80xi32, #tpu.memory_space<hbm>>
    %dma_start3A_27 = tpu.memref_squeeze %dma_start3A_26 : memref<1x1x1x80xi32, #tpu.memory_space<hbm>> -> memref<1x80xi32, #tpu.memory_space<hbm>>
    %dma_start3A_28 = arith.constant 0 : i32
    %dma_start3A_29 = arith.constant 0 : i32
    %dma_start3A_30 = tpu.memref_slice %arg6[%dma_start3A_19, %dma_start3A_28, %dma_start3A_29] : memref<3x1x80xi32, #tpu.memory_space<vmem>> -> memref<1x1x80xi32, #tpu.memory_space<vmem>>
    %dma_start3A_31 = tpu.memref_squeeze %dma_start3A_30 : memref<1x1x80xi32, #tpu.memory_space<vmem>> -> memref<1x80xi32, #tpu.memory_space<vmem>>
    %dma_start3A_32 = arith.constant 0 : i32
    %dma_start3A_33 = arith.constant 0 : i32
    %dma_start3A_34 = tpu.memref_slice %arg3[%arg1, %dma_start3A_18, %dma_start3A_32, %dma_start3A_33] : memref<16x75x1x80xi32, #tpu.memory_space<hbm>> -> memref<1x1x1x80xi32, #tpu.memory_space<hbm>>
    %dma_start3A_35 = tpu.memref_squeeze %dma_start3A_34 : memref<1x1x1x80xi32, #tpu.memory_space<hbm>> -> memref<1x80xi32, #tpu.memory_space<hbm>>
    tpu.enqueue_dma source(%dma_start3A_35 : memref<1x80xi32, #tpu.memory_space<hbm>>) target(%dma_start3A_31 : memref<1x80xi32, #tpu.memory_space<vmem>>) target_semaphore(%arg9 : memref<!tpu.dma_semaphore, #tpu.memory_space<semaphore_mem>>)
    %mul3A_36 = arith.constant 6000 : i32
    %mul3A_37 = arith.muli %arg1, %mul3A_36 : i32
    %add3A_38 = arith.constant 80 : i32
    %add3A_39 = arith.addi %mul3A_37, %add3A_38 : i32
    %dma_start3A_40 = arith.constant 1 : i32
    %dma_start3A_41 = arith.constant 0 : i32
    %dma_start3A_42 = arith.constant 0 : i32
    %dma_start3A_43 = tpu.memref_slice %arg7[%dma_start3A_40, %dma_start3A_41, %dma_start3A_42] : memref<3x80x128xf32, #tpu.memory_space<vmem>> -> memref<1x80x128xf32, #tpu.memory_space<vmem>>
    %dma_start3A_44 = tpu.memref_squeeze %dma_start3A_43 : memref<1x80x128xf32, #tpu.memory_space<vmem>> -> memref<80x128xf32, #tpu.memory_space<vmem>>
    %dma_start3A_45 = arith.constant 0 : i32
    %dma_start3A_46 = tpu.memref_slice %arg2[%arg0, %add3A_39, %dma_start3A_45] : memref<2x96000x128xf32, #tpu.memory_space<hbm>> -> memref<1x80x128xf32, #tpu.memory_space<hbm>>
    %dma_start3A_47 = tpu.memref_squeeze %dma_start3A_46 : memref<1x80x128xf32, #tpu.memory_space<hbm>> -> memref<80x128xf32, #tpu.memory_space<hbm>>
    %dma_start3A_48 = arith.constant 0 : i32
    %dma_start3A_49 = arith.constant 0 : i32
    %dma_start3A_50 = tpu.memref_slice %arg7[%dma_start3A_40, %dma_start3A_48, %dma_start3A_49] : memref<3x80x128xf32, #tpu.memory_space<vmem>> -> memref<1x80x128xf32, #tpu.memory_space<vmem>>
    %dma_start3A_51 = tpu.memref_squeeze %dma_start3A_50 : memref<1x80x128xf32, #tpu.memory_space<vmem>> -> memref<80x128xf32, #tpu.memory_space<vmem>>
    %dma_start3A_52 = arith.constant 0 : i32
    %dma_start3A_53 = tpu.memref_slice %arg2[%arg0, %add3A_39, %dma_start3A_52] : memref<2x96000x128xf32, #tpu.memory_space<hbm>> -> memref<1x80x128xf32, #tpu.memory_space<hbm>>
    %dma_start3A_54 = tpu.memref_squeeze %dma_start3A_53 : memref<1x80x128xf32, #tpu.memory_space<hbm>> -> memref<80x128xf32, #tpu.memory_space<hbm>>
    tpu.enqueue_dma source(%dma_start3A_54 : memref<80x128xf32, #tpu.memory_space<hbm>>) target(%dma_start3A_51 : memref<80x128xf32, #tpu.memory_space<vmem>>) target_semaphore(%arg10 : memref<!tpu.dma_semaphore, #tpu.memory_space<semaphore_mem>>)
    %dma_start3A_55 = arith.constant 1 : i32
    %dma_start3A_56 = arith.constant 1 : i32
    %dma_start3A_57 = arith.constant 0 : i32
    %dma_start3A_58 = arith.constant 0 : i32
    %dma_start3A_59 = tpu.memref_slice %arg6[%dma_start3A_56, %dma_start3A_57, %dma_start3A_58] : memref<3x1x80xi32, #tpu.memory_space<vmem>> -> memref<1x1x80xi32, #tpu.memory_space<vmem>>
    %dma_start3A_60 = tpu.memref_squeeze %dma_start3A_59 : memref<1x1x80xi32, #tpu.memory_space<vmem>> -> memref<1x80xi32, #tpu.memory_space<vmem>>
    %dma_start3A_61 = arith.constant 0 : i32
    %dma_start3A_62 = arith.constant 0 : i32
    %dma_start3A_63 = tpu.memref_slice %arg3[%arg1, %dma_start3A_55, %dma_start3A_61, %dma_start3A_62] : memref<16x75x1x80xi32, #tpu.memory_space<hbm>> -> memref<1x1x1x80xi32, #tpu.memory_space<hbm>>
    %dma_start3A_64 = tpu.memref_squeeze %dma_start3A_63 : memref<1x1x1x80xi32, #tpu.memory_space<hbm>> -> memref<1x80xi32, #tpu.memory_space<hbm>>
    %dma_start3A_65 = arith.constant 0 : i32
    %dma_start3A_66 = arith.constant 0 : i32
    %dma_start3A_67 = tpu.memref_slice %arg6[%dma_start3A_56, %dma_start3A_65, %dma_start3A_66] : memref<3x1x80xi32, #tpu.memory_space<vmem>> -> memref<1x1x80xi32, #tpu.memory_space<vmem>>
    %dma_start3A_68 = tpu.memref_squeeze %dma_start3A_67 : memref<1x1x80xi32, #tpu.memory_space<vmem>> -> memref<1x80xi32, #tpu.memory_space<vmem>>
    %dma_start3A_69 = arith.constant 0 : i32
    %dma_start3A_70 = arith.constant 0 : i32
    %dma_start3A_71 = tpu.memref_slice %arg3[%arg1, %dma_start3A_55, %dma_start3A_69, %dma_start3A_70] : memref<16x75x1x80xi32, #tpu.memory_space<hbm>> -> memref<1x1x1x80xi32, #tpu.memory_space<hbm>>
    %dma_start3A_72 = tpu.memref_squeeze %dma_start3A_71 : memref<1x1x1x80xi32, #tpu.memory_space<hbm>> -> memref<1x80xi32, #tpu.memory_space<hbm>>
    tpu.enqueue_dma source(%dma_start3A_72 : memref<1x80xi32, #tpu.memory_space<hbm>>) target(%dma_start3A_68 : memref<1x80xi32, #tpu.memory_space<vmem>>) target_semaphore(%arg10 : memref<!tpu.dma_semaphore, #tpu.memory_space<semaphore_mem>>)
    %barrier3A = arith.constant 0 : index
    tpu.barrier barrier_id(%barrier3A)
    %scan3A = arith.constant 0 : i32
    %scan3A_73 = arith.constant 0 : i32
    %scan3A_74 = arith.constant 25 : i32
    %scan3A_75 = arith.addi %scan3A_73, %scan3A_74 : i32
    %scan3A_76 = arith.constant 1 : i32
    scf.for %scan3A_95 = %scan3A_73 to %scan3A_75 step %scan3A_76  : i32 {
      %mul3A_96 = arith.constant 3 : i32
      %mul3A_97 = arith.muli %mul3A_96, %scan3A_95 : i32
      %add3A_98 = arith.constant 0 : i32
      %add3A_99 = arith.addi %mul3A_97, %add3A_98 : i32
      %lt3A = arith.constant 75 : i32
      %lt3A_100 = arith.cmpi slt, %add3A_99, %lt3A : i32
      %convert_element_type3A = arith.extui %lt3A_100 : i1 to i32
      %cond3A = arith.constant 0 : i32
      %cond3A_101 = arith.cmpi ne, %convert_element_type3A, %cond3A : i32
      scf.if %cond3A_101 {
        %mul3A_120 = arith.constant 6000 : i32
        %mul3A_121 = arith.muli %arg1, %mul3A_120 : i32
        %dma_wait3A_122 = arith.constant 0 : i32
        %dma_wait3A_123 = arith.constant 0 : i32
        %dma_wait3A_124 = arith.constant 0 : i32
        %dma_wait3A_125 = tpu.memref_slice %arg7[%dma_wait3A_122, %dma_wait3A_123, %dma_wait3A_124] : memref<3x80x128xf32, #tpu.memory_space<vmem>> -> memref<1x80x128xf32, #tpu.memory_space<vmem>>
        %dma_wait3A_126 = tpu.memref_squeeze %dma_wait3A_125 : memref<1x80x128xf32, #tpu.memory_space<vmem>> -> memref<80x128xf32, #tpu.memory_space<vmem>>
        %dma_wait3A_127 = arith.constant 0 : i32
        %dma_wait3A_128 = tpu.memref_slice %arg2[%arg0, %mul3A_121, %dma_wait3A_127] : memref<2x96000x128xf32, #tpu.memory_space<hbm>> -> memref<1x80x128xf32, #tpu.memory_space<hbm>>
        %dma_wait3A_129 = tpu.memref_squeeze %dma_wait3A_128 : memref<1x80x128xf32, #tpu.memory_space<hbm>> -> memref<80x128xf32, #tpu.memory_space<hbm>>
        %dma_wait3A_130 = arith.constant 0 : i32
        %dma_wait3A_131 = arith.constant 0 : i32
        %dma_wait3A_132 = tpu.memref_slice %arg7[%dma_wait3A_122, %dma_wait3A_130, %dma_wait3A_131] : memref<3x80x128xf32, #tpu.memory_space<vmem>> -> memref<1x80x128xf32, #tpu.memory_space<vmem>>
        %dma_wait3A_133 = tpu.memref_squeeze %dma_wait3A_132 : memref<1x80x128xf32, #tpu.memory_space<vmem>> -> memref<80x128xf32, #tpu.memory_space<vmem>>
        %dma_wait3A_134 = arith.constant 0 : i32
        %dma_wait3A_135 = tpu.memref_slice %arg2[%arg0, %mul3A_121, %dma_wait3A_134] : memref<2x96000x128xf32, #tpu.memory_space<hbm>> -> memref<1x80x128xf32, #tpu.memory_space<hbm>>
        %dma_wait3A_136 = tpu.memref_squeeze %dma_wait3A_135 : memref<1x80x128xf32, #tpu.memory_space<hbm>> -> memref<80x128xf32, #tpu.memory_space<hbm>>
        tpu.wait_dma2 semaphore(%arg9 : memref<!tpu.dma_semaphore, #tpu.memory_space<semaphore_mem>>) src(%dma_wait3A_136 : memref<80x128xf32, #tpu.memory_space<hbm>>) dst(%dma_wait3A_133 : memref<80x128xf32, #tpu.memory_space<vmem>>)
        %dma_wait3A_137 = arith.constant 0 : i32
        %dma_wait3A_138 = arith.constant 0 : i32
        %dma_wait3A_139 = arith.constant 0 : i32
        %dma_wait3A_140 = arith.constant 0 : i32
        %dma_wait3A_141 = tpu.memref_slice %arg6[%dma_wait3A_138, %dma_wait3A_139, %dma_wait3A_140] : memref<3x1x80xi32, #tpu.memory_space<vmem>> -> memref<1x1x80xi32, #tpu.memory_space<vmem>>
        %dma_wait3A_142 = tpu.memref_squeeze %dma_wait3A_141 : memref<1x1x80xi32, #tpu.memory_space<vmem>> -> memref<1x80xi32, #tpu.memory_space<vmem>>
        %dma_wait3A_143 = arith.constant 0 : i32
        %dma_wait3A_144 = arith.constant 0 : i32
        %dma_wait3A_145 = tpu.memref_slice %arg3[%arg1, %dma_wait3A_137, %dma_wait3A_143, %dma_wait3A_144] : memref<16x75x1x80xi32, #tpu.memory_space<hbm>> -> memref<1x1x1x80xi32, #tpu.memory_space<hbm>>
        %dma_wait3A_146 = tpu.memref_squeeze %dma_wait3A_145 : memref<1x1x1x80xi32, #tpu.memory_space<hbm>> -> memref<1x80xi32, #tpu.memory_space<hbm>>
        %dma_wait3A_147 = arith.constant 0 : i32
        %dma_wait3A_148 = arith.constant 0 : i32
        %dma_wait3A_149 = tpu.memref_slice %arg6[%dma_wait3A_138, %dma_wait3A_147, %dma_wait3A_148] : memref<3x1x80xi32, #tpu.memory_space<vmem>> -> memref<1x1x80xi32, #tpu.memory_space<vmem>>
        %dma_wait3A_150 = tpu.memref_squeeze %dma_wait3A_149 : memref<1x1x80xi32, #tpu.memory_space<vmem>> -> memref<1x80xi32, #tpu.memory_space<vmem>>
        %dma_wait3A_151 = arith.constant 0 : i32
        %dma_wait3A_152 = arith.constant 0 : i32
        %dma_wait3A_153 = tpu.memref_slice %arg3[%arg1, %dma_wait3A_137, %dma_wait3A_151, %dma_wait3A_152] : memref<16x75x1x80xi32, #tpu.memory_space<hbm>> -> memref<1x1x1x80xi32, #tpu.memory_space<hbm>>
        %dma_wait3A_154 = tpu.memref_squeeze %dma_wait3A_153 : memref<1x1x1x80xi32, #tpu.memory_space<hbm>> -> memref<1x80xi32, #tpu.memory_space<hbm>>
        tpu.wait_dma2 semaphore(%arg9 : memref<!tpu.dma_semaphore, #tpu.memory_space<semaphore_mem>>) src(%dma_wait3A_154 : memref<1x80xi32, #tpu.memory_space<hbm>>) dst(%dma_wait3A_150 : memref<1x80xi32, #tpu.memory_space<vmem>>)
        %dma_start3A_155 = arith.constant 0 : i32
        %dma_start3A_156 = arith.constant 0 : i32
        %dma_start3A_157 = arith.constant 0 : i32
        %dma_start3A_158 = arith.constant 0 : i32
        %dma_start3A_159 = arith.constant 0 : i32
        %dma_start3A_160 = tpu.memref_slice %arg7[%dma_start3A_155, %dma_start3A_158, %dma_start3A_159] : memref<3x80x128xf32, #tpu.memory_space<vmem>> -> memref<1x80x128xf32, #tpu.memory_space<vmem>>
        %dma_start3A_161 = tpu.memref_squeeze %dma_start3A_160 : memref<1x80x128xf32, #tpu.memory_space<vmem>> -> memref<80x128xf32, #tpu.memory_space<vmem>>
        %dma_start3A_162 = arith.constant 0 : i32
        %dma_start3A_163 = tpu.memref_slice %arg6[%dma_start3A_156, %dma_start3A_157, %dma_start3A_162] : memref<3x1x80xi32, #tpu.memory_space<vmem>> -> memref<1x1x80xi32, #tpu.memory_space<vmem>>
        %dma_start3A_164 = tpu.memref_squeeze %dma_start3A_163 : memref<1x1x80xi32, #tpu.memory_space<vmem>> -> memref<80xi32, #tpu.memory_space<vmem>>
        %dma_start3A_165 = arith.constant 0 : i32
        %dma_start3A_166 = arith.constant 0 : i32
        %dma_start3A_167 = tpu.memref_slice %arg8[%dma_start3A_165, %dma_start3A_166] : memref<10000x128xf32, #tpu.memory_space<vmem_shared>> -> memref<10000x128xf32, #tpu.memory_space<vmem_shared>>
        tpu.enqueue_indirect_dma source(%dma_start3A_161 : memref<80x128xf32, #tpu.memory_space<vmem>>) target(%dma_start3A_167 : memref<10000x128xf32, #tpu.memory_space<vmem_shared>>) offsets(%dma_start3A_164 : memref<80xi32, #tpu.memory_space<vmem>>) semaphore(%arg12 : memref<!tpu.dma_semaphore, #tpu.memory_space<semaphore_mem>>) {add = true}
        %ge3A = arith.constant 1 : i32
        %ge3A_168 = arith.cmpi sge, %add3A_99, %ge3A : i32
        %convert_element_type3A_169 = arith.extui %ge3A_168 : i1 to i32
        %cond3A_170 = arith.constant 0 : i32
        %cond3A_171 = arith.cmpi ne, %convert_element_type3A_169, %cond3A_170 : i32
        scf.if %cond3A_171 {
          %dma_wait3A_179 = arith.constant 2 : i32
          %dma_wait3A_180 = arith.constant 2 : i32
          %dma_wait3A_181 = arith.constant 0 : i32
          %dma_wait3A_182 = arith.constant 0 : i32
          %dma_wait3A_183 = arith.constant 0 : i32
          %dma_wait3A_184 = tpu.memref_slice %arg7[%dma_wait3A_179, %dma_wait3A_182, %dma_wait3A_183] : memref<3x80x128xf32, #tpu.memory_space<vmem>> -> memref<1x80x128xf32, #tpu.memory_space<vmem>>
          %dma_wait3A_185 = tpu.memref_squeeze %dma_wait3A_184 : memref<1x80x128xf32, #tpu.memory_space<vmem>> -> memref<80x128xf32, #tpu.memory_space<vmem>>
          %dma_wait3A_186 = arith.constant 0 : i32
          %dma_wait3A_187 = tpu.memref_slice %arg6[%dma_wait3A_180, %dma_wait3A_181, %dma_wait3A_186] : memref<3x1x80xi32, #tpu.memory_space<vmem>> -> memref<1x1x80xi32, #tpu.memory_space<vmem>>
          %dma_wait3A_188 = tpu.memref_squeeze %dma_wait3A_187 : memref<1x1x80xi32, #tpu.memory_space<vmem>> -> memref<80xi32, #tpu.memory_space<vmem>>
          %dma_wait3A_189 = arith.constant 0 : i32
          %dma_wait3A_190 = arith.constant 0 : i32
          %dma_wait3A_191 = tpu.memref_slice %arg8[%dma_wait3A_189, %dma_wait3A_190] : memref<10000x128xf32, #tpu.memory_space<vmem_shared>> -> memref<10000x128xf32, #tpu.memory_space<vmem_shared>>
          tpu.wait_indirect_dma semaphore(%arg14 : memref<!tpu.dma_semaphore, #tpu.memory_space<semaphore_mem>>) src(%dma_wait3A_185 : memref<80x128xf32, #tpu.memory_space<vmem>>) dst(%dma_wait3A_191 : memref<10000x128xf32, #tpu.memory_space<vmem_shared>>)
        } else {
        }
        %add3A_172 = arith.constant 2 : i32
        %add3A_173 = arith.addi %add3A_99, %add3A_172 : i32
        %lt3A_174 = arith.constant 75 : i32
        %lt3A_175 = arith.cmpi slt, %add3A_173, %lt3A_174 : i32
        %convert_element_type3A_176 = arith.extui %lt3A_175 : i1 to i32
        %cond3A_177 = arith.constant 0 : i32
        %cond3A_178 = arith.cmpi ne, %convert_element_type3A_176, %cond3A_177 : i32
        scf.if %cond3A_178 {
          %add3A_179 = arith.constant 2 : i32
          %add3A_180 = arith.addi %add3A_99, %add3A_179 : i32
          %mul3A_181 = arith.constant 6000 : i32
          %mul3A_182 = arith.muli %arg1, %mul3A_181 : i32
          %mul3A_183 = arith.constant 80 : i32
          %mul3A_184 = arith.muli %add3A_180, %mul3A_183 : i32
          %add3A_185 = arith.addi %mul3A_182, %mul3A_184 : i32
          %dma_start3A_186 = arith.constant 2 : i32
          %dma_start3A_187 = arith.constant 0 : i32
          %dma_start3A_188 = arith.constant 0 : i32
          %dma_start3A_189 = tpu.memref_slice %arg7[%dma_start3A_186, %dma_start3A_187, %dma_start3A_188] : memref<3x80x128xf32, #tpu.memory_space<vmem>> -> memref<1x80x128xf32, #tpu.memory_space<vmem>>
          %dma_start3A_190 = tpu.memref_squeeze %dma_start3A_189 : memref<1x80x128xf32, #tpu.memory_space<vmem>> -> memref<80x128xf32, #tpu.memory_space<vmem>>
          %dma_start3A_191 = arith.constant 0 : i32
          %dma_start3A_192 = tpu.memref_slice %arg2[%arg0, %add3A_185, %dma_start3A_191] : memref<2x96000x128xf32, #tpu.memory_space<hbm>> -> memref<1x80x128xf32, #tpu.memory_space<hbm>>
          %dma_start3A_193 = tpu.memref_squeeze %dma_start3A_192 : memref<1x80x128xf32, #tpu.memory_space<hbm>> -> memref<80x128xf32, #tpu.memory_space<hbm>>
          %dma_start3A_194 = arith.constant 0 : i32
          %dma_start3A_195 = arith.constant 0 : i32
          %dma_start3A_196 = tpu.memref_slice %arg7[%dma_start3A_186, %dma_start3A_194, %dma_start3A_195] : memref<3x80x128xf32, #tpu.memory_space<vmem>> -> memref<1x80x128xf32, #tpu.memory_space<vmem>>
          %dma_start3A_197 = tpu.memref_squeeze %dma_start3A_196 : memref<1x80x128xf32, #tpu.memory_space<vmem>> -> memref<80x128xf32, #tpu.memory_space<vmem>>
          %dma_start3A_198 = arith.constant 0 : i32
          %dma_start3A_199 = tpu.memref_slice %arg2[%arg0, %add3A_185, %dma_start3A_198] : memref<2x96000x128xf32, #tpu.memory_space<hbm>> -> memref<1x80x128xf32, #tpu.memory_space<hbm>>
          %dma_start3A_200 = tpu.memref_squeeze %dma_start3A_199 : memref<1x80x128xf32, #tpu.memory_space<hbm>> -> memref<80x128xf32, #tpu.memory_space<hbm>>
          tpu.enqueue_dma source(%dma_start3A_200 : memref<80x128xf32, #tpu.memory_space<hbm>>) target(%dma_start3A_197 : memref<80x128xf32, #tpu.memory_space<vmem>>) target_semaphore(%arg11 : memref<!tpu.dma_semaphore, #tpu.memory_space<semaphore_mem>>)
          %dma_start3A_201 = arith.constant 2 : i32
          %dma_start3A_202 = arith.constant 0 : i32
          %dma_start3A_203 = arith.constant 0 : i32
          %dma_start3A_204 = tpu.memref_slice %arg6[%dma_start3A_201, %dma_start3A_202, %dma_start3A_203] : memref<3x1x80xi32, #tpu.memory_space<vmem>> -> memref<1x1x80xi32, #tpu.memory_space<vmem>>
          %dma_start3A_205 = tpu.memref_squeeze %dma_start3A_204 : memref<1x1x80xi32, #tpu.memory_space<vmem>> -> memref<1x80xi32, #tpu.memory_space<vmem>>
          %dma_start3A_206 = arith.constant 0 : i32
          %dma_start3A_207 = arith.constant 0 : i32
          %dma_start3A_208 = tpu.memref_slice %arg3[%arg1, %add3A_180, %dma_start3A_206, %dma_start3A_207] : memref<16x75x1x80xi32, #tpu.memory_space<hbm>> -> memref<1x1x1x80xi32, #tpu.memory_space<hbm>>
          %dma_start3A_209 = tpu.memref_squeeze %dma_start3A_208 : memref<1x1x1x80xi32, #tpu.memory_space<hbm>> -> memref<1x80xi32, #tpu.memory_space<hbm>>
          %dma_start3A_210 = arith.constant 0 : i32
          %dma_start3A_211 = arith.constant 0 : i32
          %dma_start3A_212 = tpu.memref_slice %arg6[%dma_start3A_201, %dma_start3A_210, %dma_start3A_211] : memref<3x1x80xi32, #tpu.memory_space<vmem>> -> memref<1x1x80xi32, #tpu.memory_space<vmem>>
          %dma_start3A_213 = tpu.memref_squeeze %dma_start3A_212 : memref<1x1x80xi32, #tpu.memory_space<vmem>> -> memref<1x80xi32, #tpu.memory_space<vmem>>
          %dma_start3A_214 = arith.constant 0 : i32
          %dma_start3A_215 = arith.constant 0 : i32
          %dma_start3A_216 = tpu.memref_slice %arg3[%arg1, %add3A_180, %dma_start3A_214, %dma_start3A_215] : memref<16x75x1x80xi32, #tpu.memory_space<hbm>> -> memref<1x1x1x80xi32, #tpu.memory_space<hbm>>
          %dma_start3A_217 = tpu.memref_squeeze %dma_start3A_216 : memref<1x1x1x80xi32, #tpu.memory_space<hbm>> -> memref<1x80xi32, #tpu.memory_space<hbm>>
          tpu.enqueue_dma source(%dma_start3A_217 : memref<1x80xi32, #tpu.memory_space<hbm>>) target(%dma_start3A_213 : memref<1x80xi32, #tpu.memory_space<vmem>>) target_semaphore(%arg11 : memref<!tpu.dma_semaphore, #tpu.memory_space<semaphore_mem>>)
        } else {
        }
      } else {
      }
      %mul3A_102 = arith.constant 3 : i32
      %mul3A_103 = arith.muli %mul3A_102, %scan3A_95 : i32
      %add3A_104 = arith.constant 1 : i32
      %add3A_105 = arith.addi %mul3A_103, %add3A_104 : i32
      %lt3A_106 = arith.constant 75 : i32
      %lt3A_107 = arith.cmpi slt, %add3A_105, %lt3A_106 : i32
      %convert_element_type3A_108 = arith.extui %lt3A_107 : i1 to i32
      %cond3A_109 = arith.constant 0 : i32
      %cond3A_110 = arith.cmpi ne, %convert_element_type3A_108, %cond3A_109 : i32
      scf.if %cond3A_110 {
        %mul3A_120 = arith.constant 6000 : i32
        %mul3A_121 = arith.muli %arg1, %mul3A_120 : i32
        %dma_wait3A_122 = arith.constant 1 : i32
        %dma_wait3A_123 = arith.constant 0 : i32
        %dma_wait3A_124 = arith.constant 0 : i32
        %dma_wait3A_125 = tpu.memref_slice %arg7[%dma_wait3A_122, %dma_wait3A_123, %dma_wait3A_124] : memref<3x80x128xf32, #tpu.memory_space<vmem>> -> memref<1x80x128xf32, #tpu.memory_space<vmem>>
        %dma_wait3A_126 = tpu.memref_squeeze %dma_wait3A_125 : memref<1x80x128xf32, #tpu.memory_space<vmem>> -> memref<80x128xf32, #tpu.memory_space<vmem>>
        %dma_wait3A_127 = arith.constant 0 : i32
        %dma_wait3A_128 = tpu.memref_slice %arg2[%arg0, %mul3A_121, %dma_wait3A_127] : memref<2x96000x128xf32, #tpu.memory_space<hbm>> -> memref<1x80x128xf32, #tpu.memory_space<hbm>>
        %dma_wait3A_129 = tpu.memref_squeeze %dma_wait3A_128 : memref<1x80x128xf32, #tpu.memory_space<hbm>> -> memref<80x128xf32, #tpu.memory_space<hbm>>
        %dma_wait3A_130 = arith.constant 0 : i32
        %dma_wait3A_131 = arith.constant 0 : i32
        %dma_wait3A_132 = tpu.memref_slice %arg7[%dma_wait3A_122, %dma_wait3A_130, %dma_wait3A_131] : memref<3x80x128xf32, #tpu.memory_space<vmem>> -> memref<1x80x128xf32, #tpu.memory_space<vmem>>
        %dma_wait3A_133 = tpu.memref_squeeze %dma_wait3A_132 : memref<1x80x128xf32, #tpu.memory_space<vmem>> -> memref<80x128xf32, #tpu.memory_space<vmem>>
        %dma_wait3A_134 = arith.constant 0 : i32
        %dma_wait3A_135 = tpu.memref_slice %arg2[%arg0, %mul3A_121, %dma_wait3A_134] : memref<2x96000x128xf32, #tpu.memory_space<hbm>> -> memref<1x80x128xf32, #tpu.memory_space<hbm>>
        %dma_wait3A_136 = tpu.memref_squeeze %dma_wait3A_135 : memref<1x80x128xf32, #tpu.memory_space<hbm>> -> memref<80x128xf32, #tpu.memory_space<hbm>>
        tpu.wait_dma2 semaphore(%arg10 : memref<!tpu.dma_semaphore, #tpu.memory_space<semaphore_mem>>) src(%dma_wait3A_136 : memref<80x128xf32, #tpu.memory_space<hbm>>) dst(%dma_wait3A_133 : memref<80x128xf32, #tpu.memory_space<vmem>>)
        %dma_wait3A_137 = arith.constant 0 : i32
        %dma_wait3A_138 = arith.constant 1 : i32
        %dma_wait3A_139 = arith.constant 0 : i32
        %dma_wait3A_140 = arith.constant 0 : i32
        %dma_wait3A_141 = tpu.memref_slice %arg6[%dma_wait3A_138, %dma_wait3A_139, %dma_wait3A_140] : memref<3x1x80xi32, #tpu.memory_space<vmem>> -> memref<1x1x80xi32, #tpu.memory_space<vmem>>
        %dma_wait3A_142 = tpu.memref_squeeze %dma_wait3A_141 : memref<1x1x80xi32, #tpu.memory_space<vmem>> -> memref<1x80xi32, #tpu.memory_space<vmem>>
        %dma_wait3A_143 = arith.constant 0 : i32
        %dma_wait3A_144 = arith.constant 0 : i32
        %dma_wait3A_145 = tpu.memref_slice %arg3[%arg1, %dma_wait3A_137, %dma_wait3A_143, %dma_wait3A_144] : memref<16x75x1x80xi32, #tpu.memory_space<hbm>> -> memref<1x1x1x80xi32, #tpu.memory_space<hbm>>
        %dma_wait3A_146 = tpu.memref_squeeze %dma_wait3A_145 : memref<1x1x1x80xi32, #tpu.memory_space<hbm>> -> memref<1x80xi32, #tpu.memory_space<hbm>>
        %dma_wait3A_147 = arith.constant 0 : i32
        %dma_wait3A_148 = arith.constant 0 : i32
        %dma_wait3A_149 = tpu.memref_slice %arg6[%dma_wait3A_138, %dma_wait3A_147, %dma_wait3A_148] : memref<3x1x80xi32, #tpu.memory_space<vmem>> -> memref<1x1x80xi32, #tpu.memory_space<vmem>>
        %dma_wait3A_150 = tpu.memref_squeeze %dma_wait3A_149 : memref<1x1x80xi32, #tpu.memory_space<vmem>> -> memref<1x80xi32, #tpu.memory_space<vmem>>
        %dma_wait3A_151 = arith.constant 0 : i32
        %dma_wait3A_152 = arith.constant 0 : i32
        %dma_wait3A_153 = tpu.memref_slice %arg3[%arg1, %dma_wait3A_137, %dma_wait3A_151, %dma_wait3A_152] : memref<16x75x1x80xi32, #tpu.memory_space<hbm>> -> memref<1x1x1x80xi32, #tpu.memory_space<hbm>>
        %dma_wait3A_154 = tpu.memref_squeeze %dma_wait3A_153 : memref<1x1x1x80xi32, #tpu.memory_space<hbm>> -> memref<1x80xi32, #tpu.memory_space<hbm>>
        tpu.wait_dma2 semaphore(%arg10 : memref<!tpu.dma_semaphore, #tpu.memory_space<semaphore_mem>>) src(%dma_wait3A_154 : memref<1x80xi32, #tpu.memory_space<hbm>>) dst(%dma_wait3A_150 : memref<1x80xi32, #tpu.memory_space<vmem>>)
        %dma_start3A_155 = arith.constant 1 : i32
        %dma_start3A_156 = arith.constant 1 : i32
        %dma_start3A_157 = arith.constant 0 : i32
        %dma_start3A_158 = arith.constant 0 : i32
        %dma_start3A_159 = arith.constant 0 : i32
        %dma_start3A_160 = tpu.memref_slice %arg7[%dma_start3A_155, %dma_start3A_158, %dma_start3A_159] : memref<3x80x128xf32, #tpu.memory_space<vmem>> -> memref<1x80x128xf32, #tpu.memory_space<vmem>>
        %dma_start3A_161 = tpu.memref_squeeze %dma_start3A_160 : memref<1x80x128xf32, #tpu.memory_space<vmem>> -> memref<80x128xf32, #tpu.memory_space<vmem>>
        %dma_start3A_162 = arith.constant 0 : i32
        %dma_start3A_163 = tpu.memref_slice %arg6[%dma_start3A_156, %dma_start3A_157, %dma_start3A_162] : memref<3x1x80xi32, #tpu.memory_space<vmem>> -> memref<1x1x80xi32, #tpu.memory_space<vmem>>
        %dma_start3A_164 = tpu.memref_squeeze %dma_start3A_163 : memref<1x1x80xi32, #tpu.memory_space<vmem>> -> memref<80xi32, #tpu.memory_space<vmem>>
        %dma_start3A_165 = arith.constant 0 : i32
        %dma_start3A_166 = arith.constant 0 : i32
        %dma_start3A_167 = tpu.memref_slice %arg8[%dma_start3A_165, %dma_start3A_166] : memref<10000x128xf32, #tpu.memory_space<vmem_shared>> -> memref<10000x128xf32, #tpu.memory_space<vmem_shared>>
        tpu.enqueue_indirect_dma source(%dma_start3A_161 : memref<80x128xf32, #tpu.memory_space<vmem>>) target(%dma_start3A_167 : memref<10000x128xf32, #tpu.memory_space<vmem_shared>>) offsets(%dma_start3A_164 : memref<80xi32, #tpu.memory_space<vmem>>) semaphore(%arg13 : memref<!tpu.dma_semaphore, #tpu.memory_space<semaphore_mem>>) {add = true}
        %ge3A = arith.constant 1 : i32
        %ge3A_168 = arith.cmpi sge, %add3A_105, %ge3A : i32
        %convert_element_type3A_169 = arith.extui %ge3A_168 : i1 to i32
        %cond3A_170 = arith.constant 0 : i32
        %cond3A_171 = arith.cmpi ne, %convert_element_type3A_169, %cond3A_170 : i32
        scf.if %cond3A_171 {
          %dma_wait3A_179 = arith.constant 0 : i32
          %dma_wait3A_180 = arith.constant 0 : i32
          %dma_wait3A_181 = arith.constant 0 : i32
          %dma_wait3A_182 = arith.constant 0 : i32
          %dma_wait3A_183 = arith.constant 0 : i32
          %dma_wait3A_184 = tpu.memref_slice %arg7[%dma_wait3A_179, %dma_wait3A_182, %dma_wait3A_183] : memref<3x80x128xf32, #tpu.memory_space<vmem>> -> memref<1x80x128xf32, #tpu.memory_space<vmem>>
          %dma_wait3A_185 = tpu.memref_squeeze %dma_wait3A_184 : memref<1x80x128xf32, #tpu.memory_space<vmem>> -> memref<80x128xf32, #tpu.memory_space<vmem>>
          %dma_wait3A_186 = arith.constant 0 : i32
          %dma_wait3A_187 = tpu.memref_slice %arg6[%dma_wait3A_180, %dma_wait3A_181, %dma_wait3A_186] : memref<3x1x80xi32, #tpu.memory_space<vmem>> -> memref<1x1x80xi32, #tpu.memory_space<vmem>>
          %dma_wait3A_188 = tpu.memref_squeeze %dma_wait3A_187 : memref<1x1x80xi32, #tpu.memory_space<vmem>> -> memref<80xi32, #tpu.memory_space<vmem>>
          %dma_wait3A_189 = arith.constant 0 : i32
          %dma_wait3A_190 = arith.constant 0 : i32
          %dma_wait3A_191 = tpu.memref_slice %arg8[%dma_wait3A_189, %dma_wait3A_190] : memref<10000x128xf32, #tpu.memory_space<vmem_shared>> -> memref<10000x128xf32, #tpu.memory_space<vmem_shared>>
          tpu.wait_indirect_dma semaphore(%arg12 : memref<!tpu.dma_semaphore, #tpu.memory_space<semaphore_mem>>) src(%dma_wait3A_185 : memref<80x128xf32, #tpu.memory_space<vmem>>) dst(%dma_wait3A_191 : memref<10000x128xf32, #tpu.memory_space<vmem_shared>>)
        } else {
        }
        %add3A_172 = arith.constant 2 : i32
        %add3A_173 = arith.addi %add3A_105, %add3A_172 : i32
        %lt3A_174 = arith.constant 75 : i32
        %lt3A_175 = arith.cmpi slt, %add3A_173, %lt3A_174 : i32
        %convert_element_type3A_176 = arith.extui %lt3A_175 : i1 to i32
        %cond3A_177 = arith.constant 0 : i32
        %cond3A_178 = arith.cmpi ne, %convert_element_type3A_176, %cond3A_177 : i32
        scf.if %cond3A_178 {
          %add3A_179 = arith.constant 2 : i32
          %add3A_180 = arith.addi %add3A_105, %add3A_179 : i32
          %mul3A_181 = arith.constant 6000 : i32
          %mul3A_182 = arith.muli %arg1, %mul3A_181 : i32
          %mul3A_183 = arith.constant 80 : i32
          %mul3A_184 = arith.muli %add3A_180, %mul3A_183 : i32
          %add3A_185 = arith.addi %mul3A_182, %mul3A_184 : i32
          %dma_start3A_186 = arith.constant 0 : i32
          %dma_start3A_187 = arith.constant 0 : i32
          %dma_start3A_188 = arith.constant 0 : i32
          %dma_start3A_189 = tpu.memref_slice %arg7[%dma_start3A_186, %dma_start3A_187, %dma_start3A_188] : memref<3x80x128xf32, #tpu.memory_space<vmem>> -> memref<1x80x128xf32, #tpu.memory_space<vmem>>
          %dma_start3A_190 = tpu.memref_squeeze %dma_start3A_189 : memref<1x80x128xf32, #tpu.memory_space<vmem>> -> memref<80x128xf32, #tpu.memory_space<vmem>>
          %dma_start3A_191 = arith.constant 0 : i32
          %dma_start3A_192 = tpu.memref_slice %arg2[%arg0, %add3A_185, %dma_start3A_191] : memref<2x96000x128xf32, #tpu.memory_space<hbm>> -> memref<1x80x128xf32, #tpu.memory_space<hbm>>
          %dma_start3A_193 = tpu.memref_squeeze %dma_start3A_192 : memref<1x80x128xf32, #tpu.memory_space<hbm>> -> memref<80x128xf32, #tpu.memory_space<hbm>>
          %dma_start3A_194 = arith.constant 0 : i32
          %dma_start3A_195 = arith.constant 0 : i32
          %dma_start3A_196 = tpu.memref_slice %arg7[%dma_start3A_186, %dma_start3A_194, %dma_start3A_195] : memref<3x80x128xf32, #tpu.memory_space<vmem>> -> memref<1x80x128xf32, #tpu.memory_space<vmem>>
          %dma_start3A_197 = tpu.memref_squeeze %dma_start3A_196 : memref<1x80x128xf32, #tpu.memory_space<vmem>> -> memref<80x128xf32, #tpu.memory_space<vmem>>
          %dma_start3A_198 = arith.constant 0 : i32
          %dma_start3A_199 = tpu.memref_slice %arg2[%arg0, %add3A_185, %dma_start3A_198] : memref<2x96000x128xf32, #tpu.memory_space<hbm>> -> memref<1x80x128xf32, #tpu.memory_space<hbm>>
          %dma_start3A_200 = tpu.memref_squeeze %dma_start3A_199 : memref<1x80x128xf32, #tpu.memory_space<hbm>> -> memref<80x128xf32, #tpu.memory_space<hbm>>
          tpu.enqueue_dma source(%dma_start3A_200 : memref<80x128xf32, #tpu.memory_space<hbm>>) target(%dma_start3A_197 : memref<80x128xf32, #tpu.memory_space<vmem>>) target_semaphore(%arg9 : memref<!tpu.dma_semaphore, #tpu.memory_space<semaphore_mem>>)
          %dma_start3A_201 = arith.constant 0 : i32
          %dma_start3A_202 = arith.constant 0 : i32
          %dma_start3A_203 = arith.constant 0 : i32
          %dma_start3A_204 = tpu.memref_slice %arg6[%dma_start3A_201, %dma_start3A_202, %dma_start3A_203] : memref<3x1x80xi32, #tpu.memory_space<vmem>> -> memref<1x1x80xi32, #tpu.memory_space<vmem>>
          %dma_start3A_205 = tpu.memref_squeeze %dma_start3A_204 : memref<1x1x80xi32, #tpu.memory_space<vmem>> -> memref<1x80xi32, #tpu.memory_space<vmem>>
          %dma_start3A_206 = arith.constant 0 : i32
          %dma_start3A_207 = arith.constant 0 : i32
          %dma_start3A_208 = tpu.memref_slice %arg3[%arg1, %add3A_180, %dma_start3A_206, %dma_start3A_207] : memref<16x75x1x80xi32, #tpu.memory_space<hbm>> -> memref<1x1x1x80xi32, #tpu.memory_space<hbm>>
          %dma_start3A_209 = tpu.memref_squeeze %dma_start3A_208 : memref<1x1x1x80xi32, #tpu.memory_space<hbm>> -> memref<1x80xi32, #tpu.memory_space<hbm>>
          %dma_start3A_210 = arith.constant 0 : i32
          %dma_start3A_211 = arith.constant 0 : i32
          %dma_start3A_212 = tpu.memref_slice %arg6[%dma_start3A_201, %dma_start3A_210, %dma_start3A_211] : memref<3x1x80xi32, #tpu.memory_space<vmem>> -> memref<1x1x80xi32, #tpu.memory_space<vmem>>
          %dma_start3A_213 = tpu.memref_squeeze %dma_start3A_212 : memref<1x1x80xi32, #tpu.memory_space<vmem>> -> memref<1x80xi32, #tpu.memory_space<vmem>>
          %dma_start3A_214 = arith.constant 0 : i32
          %dma_start3A_215 = arith.constant 0 : i32
          %dma_start3A_216 = tpu.memref_slice %arg3[%arg1, %add3A_180, %dma_start3A_214, %dma_start3A_215] : memref<16x75x1x80xi32, #tpu.memory_space<hbm>> -> memref<1x1x1x80xi32, #tpu.memory_space<hbm>>
          %dma_start3A_217 = tpu.memref_squeeze %dma_start3A_216 : memref<1x1x1x80xi32, #tpu.memory_space<hbm>> -> memref<1x80xi32, #tpu.memory_space<hbm>>
          tpu.enqueue_dma source(%dma_start3A_217 : memref<1x80xi32, #tpu.memory_space<hbm>>) target(%dma_start3A_213 : memref<1x80xi32, #tpu.memory_space<vmem>>) target_semaphore(%arg9 : memref<!tpu.dma_semaphore, #tpu.memory_space<semaphore_mem>>)
        } else {
        }
      } else {
      }
      %mul3A_111 = arith.constant 3 : i32
      %mul3A_112 = arith.muli %mul3A_111, %scan3A_95 : i32
      %add3A_113 = arith.constant 2 : i32
      %add3A_114 = arith.addi %mul3A_112, %add3A_113 : i32
      %lt3A_115 = arith.constant 75 : i32
      %lt3A_116 = arith.cmpi slt, %add3A_114, %lt3A_115 : i32
      %convert_element_type3A_117 = arith.extui %lt3A_116 : i1 to i32
      %cond3A_118 = arith.constant 0 : i32
      %cond3A_119 = arith.cmpi ne, %convert_element_type3A_117, %cond3A_118 : i32
      scf.if %cond3A_119 {
        %mul3A_120 = arith.constant 6000 : i32
        %mul3A_121 = arith.muli %arg1, %mul3A_120 : i32
        %dma_wait3A_122 = arith.constant 2 : i32
        %dma_wait3A_123 = arith.constant 0 : i32
        %dma_wait3A_124 = arith.constant 0 : i32
        %dma_wait3A_125 = tpu.memref_slice %arg7[%dma_wait3A_122, %dma_wait3A_123, %dma_wait3A_124] : memref<3x80x128xf32, #tpu.memory_space<vmem>> -> memref<1x80x128xf32, #tpu.memory_space<vmem>>
        %dma_wait3A_126 = tpu.memref_squeeze %dma_wait3A_125 : memref<1x80x128xf32, #tpu.memory_space<vmem>> -> memref<80x128xf32, #tpu.memory_space<vmem>>
        %dma_wait3A_127 = arith.constant 0 : i32
        %dma_wait3A_128 = tpu.memref_slice %arg2[%arg0, %mul3A_121, %dma_wait3A_127] : memref<2x96000x128xf32, #tpu.memory_space<hbm>> -> memref<1x80x128xf32, #tpu.memory_space<hbm>>
        %dma_wait3A_129 = tpu.memref_squeeze %dma_wait3A_128 : memref<1x80x128xf32, #tpu.memory_space<hbm>> -> memref<80x128xf32, #tpu.memory_space<hbm>>
        %dma_wait3A_130 = arith.constant 0 : i32
        %dma_wait3A_131 = arith.constant 0 : i32
        %dma_wait3A_132 = tpu.memref_slice %arg7[%dma_wait3A_122, %dma_wait3A_130, %dma_wait3A_131] : memref<3x80x128xf32, #tpu.memory_space<vmem>> -> memref<1x80x128xf32, #tpu.memory_space<vmem>>
        %dma_wait3A_133 = tpu.memref_squeeze %dma_wait3A_132 : memref<1x80x128xf32, #tpu.memory_space<vmem>> -> memref<80x128xf32, #tpu.memory_space<vmem>>
        %dma_wait3A_134 = arith.constant 0 : i32
        %dma_wait3A_135 = tpu.memref_slice %arg2[%arg0, %mul3A_121, %dma_wait3A_134] : memref<2x96000x128xf32, #tpu.memory_space<hbm>> -> memref<1x80x128xf32, #tpu.memory_space<hbm>>
        %dma_wait3A_136 = tpu.memref_squeeze %dma_wait3A_135 : memref<1x80x128xf32, #tpu.memory_space<hbm>> -> memref<80x128xf32, #tpu.memory_space<hbm>>
        tpu.wait_dma2 semaphore(%arg11 : memref<!tpu.dma_semaphore, #tpu.memory_space<semaphore_mem>>) src(%dma_wait3A_136 : memref<80x128xf32, #tpu.memory_space<hbm>>) dst(%dma_wait3A_133 : memref<80x128xf32, #tpu.memory_space<vmem>>)
        %dma_wait3A_137 = arith.constant 0 : i32
        %dma_wait3A_138 = arith.constant 2 : i32
        %dma_wait3A_139 = arith.constant 0 : i32
        %dma_wait3A_140 = arith.constant 0 : i32
        %dma_wait3A_141 = tpu.memref_slice %arg6[%dma_wait3A_138, %dma_wait3A_139, %dma_wait3A_140] : memref<3x1x80xi32, #tpu.memory_space<vmem>> -> memref<1x1x80xi32, #tpu.memory_space<vmem>>
        %dma_wait3A_142 = tpu.memref_squeeze %dma_wait3A_141 : memref<1x1x80xi32, #tpu.memory_space<vmem>> -> memref<1x80xi32, #tpu.memory_space<vmem>>
        %dma_wait3A_143 = arith.constant 0 : i32
        %dma_wait3A_144 = arith.constant 0 : i32
        %dma_wait3A_145 = tpu.memref_slice %arg3[%arg1, %dma_wait3A_137, %dma_wait3A_143, %dma_wait3A_144] : memref<16x75x1x80xi32, #tpu.memory_space<hbm>> -> memref<1x1x1x80xi32, #tpu.memory_space<hbm>>
        %dma_wait3A_146 = tpu.memref_squeeze %dma_wait3A_145 : memref<1x1x1x80xi32, #tpu.memory_space<hbm>> -> memref<1x80xi32, #tpu.memory_space<hbm>>
        %dma_wait3A_147 = arith.constant 0 : i32
        %dma_wait3A_148 = arith.constant 0 : i32
        %dma_wait3A_149 = tpu.memref_slice %arg6[%dma_wait3A_138, %dma_wait3A_147, %dma_wait3A_148] : memref<3x1x80xi32, #tpu.memory_space<vmem>> -> memref<1x1x80xi32, #tpu.memory_space<vmem>>
        %dma_wait3A_150 = tpu.memref_squeeze %dma_wait3A_149 : memref<1x1x80xi32, #tpu.memory_space<vmem>> -> memref<1x80xi32, #tpu.memory_space<vmem>>
        %dma_wait3A_151 = arith.constant 0 : i32
        %dma_wait3A_152 = arith.constant 0 : i32
        %dma_wait3A_153 = tpu.memref_slice %arg3[%arg1, %dma_wait3A_137, %dma_wait3A_151, %dma_wait3A_152] : memref<16x75x1x80xi32, #tpu.memory_space<hbm>> -> memref<1x1x1x80xi32, #tpu.memory_space<hbm>>
        %dma_wait3A_154 = tpu.memref_squeeze %dma_wait3A_153 : memref<1x1x1x80xi32, #tpu.memory_space<hbm>> -> memref<1x80xi32, #tpu.memory_space<hbm>>
        tpu.wait_dma2 semaphore(%arg11 : memref<!tpu.dma_semaphore, #tpu.memory_space<semaphore_mem>>) src(%dma_wait3A_154 : memref<1x80xi32, #tpu.memory_space<hbm>>) dst(%dma_wait3A_150 : memref<1x80xi32, #tpu.memory_space<vmem>>)
        %dma_start3A_155 = arith.constant 2 : i32
        %dma_start3A_156 = arith.constant 2 : i32
        %dma_start3A_157 = arith.constant 0 : i32
        %dma_start3A_158 = arith.constant 0 : i32
        %dma_start3A_159 = arith.constant 0 : i32
        %dma_start3A_160 = tpu.memref_slice %arg7[%dma_start3A_155, %dma_start3A_158, %dma_start3A_159] : memref<3x80x128xf32, #tpu.memory_space<vmem>> -> memref<1x80x128xf32, #tpu.memory_space<vmem>>
        %dma_start3A_161 = tpu.memref_squeeze %dma_start3A_160 : memref<1x80x128xf32, #tpu.memory_space<vmem>> -> memref<80x128xf32, #tpu.memory_space<vmem>>
        %dma_start3A_162 = arith.constant 0 : i32
        %dma_start3A_163 = tpu.memref_slice %arg6[%dma_start3A_156, %dma_start3A_157, %dma_start3A_162] : memref<3x1x80xi32, #tpu.memory_space<vmem>> -> memref<1x1x80xi32, #tpu.memory_space<vmem>>
        %dma_start3A_164 = tpu.memref_squeeze %dma_start3A_163 : memref<1x1x80xi32, #tpu.memory_space<vmem>> -> memref<80xi32, #tpu.memory_space<vmem>>
        %dma_start3A_165 = arith.constant 0 : i32
        %dma_start3A_166 = arith.constant 0 : i32
        %dma_start3A_167 = tpu.memref_slice %arg8[%dma_start3A_165, %dma_start3A_166] : memref<10000x128xf32, #tpu.memory_space<vmem_shared>> -> memref<10000x128xf32, #tpu.memory_space<vmem_shared>>
        tpu.enqueue_indirect_dma source(%dma_start3A_161 : memref<80x128xf32, #tpu.memory_space<vmem>>) target(%dma_start3A_167 : memref<10000x128xf32, #tpu.memory_space<vmem_shared>>) offsets(%dma_start3A_164 : memref<80xi32, #tpu.memory_space<vmem>>) semaphore(%arg14 : memref<!tpu.dma_semaphore, #tpu.memory_space<semaphore_mem>>) {add = true}
        %ge3A = arith.constant 1 : i32
        %ge3A_168 = arith.cmpi sge, %add3A_114, %ge3A : i32
        %convert_element_type3A_169 = arith.extui %ge3A_168 : i1 to i32
        %cond3A_170 = arith.constant 0 : i32
        %cond3A_171 = arith.cmpi ne, %convert_element_type3A_169, %cond3A_170 : i32
        scf.if %cond3A_171 {
          %dma_wait3A_179 = arith.constant 1 : i32
          %dma_wait3A_180 = arith.constant 1 : i32
          %dma_wait3A_181 = arith.constant 0 : i32
          %dma_wait3A_182 = arith.constant 0 : i32
          %dma_wait3A_183 = arith.constant 0 : i32
          %dma_wait3A_184 = tpu.memref_slice %arg7[%dma_wait3A_179, %dma_wait3A_182, %dma_wait3A_183] : memref<3x80x128xf32, #tpu.memory_space<vmem>> -> memref<1x80x128xf32, #tpu.memory_space<vmem>>
          %dma_wait3A_185 = tpu.memref_squeeze %dma_wait3A_184 : memref<1x80x128xf32, #tpu.memory_space<vmem>> -> memref<80x128xf32, #tpu.memory_space<vmem>>
          %dma_wait3A_186 = arith.constant 0 : i32
          %dma_wait3A_187 = tpu.memref_slice %arg6[%dma_wait3A_180, %dma_wait3A_181, %dma_wait3A_186] : memref<3x1x80xi32, #tpu.memory_space<vmem>> -> memref<1x1x80xi32, #tpu.memory_space<vmem>>
          %dma_wait3A_188 = tpu.memref_squeeze %dma_wait3A_187 : memref<1x1x80xi32, #tpu.memory_space<vmem>> -> memref<80xi32, #tpu.memory_space<vmem>>
          %dma_wait3A_189 = arith.constant 0 : i32
          %dma_wait3A_190 = arith.constant 0 : i32
          %dma_wait3A_191 = tpu.memref_slice %arg8[%dma_wait3A_189, %dma_wait3A_190] : memref<10000x128xf32, #tpu.memory_space<vmem_shared>> -> memref<10000x128xf32, #tpu.memory_space<vmem_shared>>
          tpu.wait_indirect_dma semaphore(%arg13 : memref<!tpu.dma_semaphore, #tpu.memory_space<semaphore_mem>>) src(%dma_wait3A_185 : memref<80x128xf32, #tpu.memory_space<vmem>>) dst(%dma_wait3A_191 : memref<10000x128xf32, #tpu.memory_space<vmem_shared>>)
        } else {
        }
        %add3A_172 = arith.constant 2 : i32
        %add3A_173 = arith.addi %add3A_114, %add3A_172 : i32
        %lt3A_174 = arith.constant 75 : i32
        %lt3A_175 = arith.cmpi slt, %add3A_173, %lt3A_174 : i32
        %convert_element_type3A_176 = arith.extui %lt3A_175 : i1 to i32
        %cond3A_177 = arith.constant 0 : i32
        %cond3A_178 = arith.cmpi ne, %convert_element_type3A_176, %cond3A_177 : i32
        scf.if %cond3A_178 {
          %add3A_179 = arith.constant 2 : i32
          %add3A_180 = arith.addi %add3A_114, %add3A_179 : i32
          %mul3A_181 = arith.constant 6000 : i32
          %mul3A_182 = arith.muli %arg1, %mul3A_181 : i32
          %mul3A_183 = arith.constant 80 : i32
          %mul3A_184 = arith.muli %add3A_180, %mul3A_183 : i32
          %add3A_185 = arith.addi %mul3A_182, %mul3A_184 : i32
          %dma_start3A_186 = arith.constant 1 : i32
          %dma_start3A_187 = arith.constant 0 : i32
          %dma_start3A_188 = arith.constant 0 : i32
          %dma_start3A_189 = tpu.memref_slice %arg7[%dma_start3A_186, %dma_start3A_187, %dma_start3A_188] : memref<3x80x128xf32, #tpu.memory_space<vmem>> -> memref<1x80x128xf32, #tpu.memory_space<vmem>>
          %dma_start3A_190 = tpu.memref_squeeze %dma_start3A_189 : memref<1x80x128xf32, #tpu.memory_space<vmem>> -> memref<80x128xf32, #tpu.memory_space<vmem>>
          %dma_start3A_191 = arith.constant 0 : i32
          %dma_start3A_192 = tpu.memref_slice %arg2[%arg0, %add3A_185, %dma_start3A_191] : memref<2x96000x128xf32, #tpu.memory_space<hbm>> -> memref<1x80x128xf32, #tpu.memory_space<hbm>>
          %dma_start3A_193 = tpu.memref_squeeze %dma_start3A_192 : memref<1x80x128xf32, #tpu.memory_space<hbm>> -> memref<80x128xf32, #tpu.memory_space<hbm>>
          %dma_start3A_194 = arith.constant 0 : i32
          %dma_start3A_195 = arith.constant 0 : i32
          %dma_start3A_196 = tpu.memref_slice %arg7[%dma_start3A_186, %dma_start3A_194, %dma_start3A_195] : memref<3x80x128xf32, #tpu.memory_space<vmem>> -> memref<1x80x128xf32, #tpu.memory_space<vmem>>
          %dma_start3A_197 = tpu.memref_squeeze %dma_start3A_196 : memref<1x80x128xf32, #tpu.memory_space<vmem>> -> memref<80x128xf32, #tpu.memory_space<vmem>>
          %dma_start3A_198 = arith.constant 0 : i32
          %dma_start3A_199 = tpu.memref_slice %arg2[%arg0, %add3A_185, %dma_start3A_198] : memref<2x96000x128xf32, #tpu.memory_space<hbm>> -> memref<1x80x128xf32, #tpu.memory_space<hbm>>
          %dma_start3A_200 = tpu.memref_squeeze %dma_start3A_199 : memref<1x80x128xf32, #tpu.memory_space<hbm>> -> memref<80x128xf32, #tpu.memory_space<hbm>>
          tpu.enqueue_dma source(%dma_start3A_200 : memref<80x128xf32, #tpu.memory_space<hbm>>) target(%dma_start3A_197 : memref<80x128xf32, #tpu.memory_space<vmem>>) target_semaphore(%arg10 : memref<!tpu.dma_semaphore, #tpu.memory_space<semaphore_mem>>)
          %dma_start3A_201 = arith.constant 1 : i32
          %dma_start3A_202 = arith.constant 0 : i32
          %dma_start3A_203 = arith.constant 0 : i32
          %dma_start3A_204 = tpu.memref_slice %arg6[%dma_start3A_201, %dma_start3A_202, %dma_start3A_203] : memref<3x1x80xi32, #tpu.memory_space<vmem>> -> memref<1x1x80xi32, #tpu.memory_space<vmem>>
          %dma_start3A_205 = tpu.memref_squeeze %dma_start3A_204 : memref<1x1x80xi32, #tpu.memory_space<vmem>> -> memref<1x80xi32, #tpu.memory_space<vmem>>
          %dma_start3A_206 = arith.constant 0 : i32
          %dma_start3A_207 = arith.constant 0 : i32
          %dma_start3A_208 = tpu.memref_slice %arg3[%arg1, %add3A_180, %dma_start3A_206, %dma_start3A_207] : memref<16x75x1x80xi32, #tpu.memory_space<hbm>> -> memref<1x1x1x80xi32, #tpu.memory_space<hbm>>
          %dma_start3A_209 = tpu.memref_squeeze %dma_start3A_208 : memref<1x1x1x80xi32, #tpu.memory_space<hbm>> -> memref<1x80xi32, #tpu.memory_space<hbm>>
          %dma_start3A_210 = arith.constant 0 : i32
          %dma_start3A_211 = arith.constant 0 : i32
          %dma_start3A_212 = tpu.memref_slice %arg6[%dma_start3A_201, %dma_start3A_210, %dma_start3A_211] : memref<3x1x80xi32, #tpu.memory_space<vmem>> -> memref<1x1x80xi32, #tpu.memory_space<vmem>>
          %dma_start3A_213 = tpu.memref_squeeze %dma_start3A_212 : memref<1x1x80xi32, #tpu.memory_space<vmem>> -> memref<1x80xi32, #tpu.memory_space<vmem>>
          %dma_start3A_214 = arith.constant 0 : i32
          %dma_start3A_215 = arith.constant 0 : i32
          %dma_start3A_216 = tpu.memref_slice %arg3[%arg1, %add3A_180, %dma_start3A_214, %dma_start3A_215] : memref<16x75x1x80xi32, #tpu.memory_space<hbm>> -> memref<1x1x1x80xi32, #tpu.memory_space<hbm>>
          %dma_start3A_217 = tpu.memref_squeeze %dma_start3A_216 : memref<1x1x1x80xi32, #tpu.memory_space<hbm>> -> memref<1x80xi32, #tpu.memory_space<hbm>>
          tpu.enqueue_dma source(%dma_start3A_217 : memref<1x80xi32, #tpu.memory_space<hbm>>) target(%dma_start3A_213 : memref<1x80xi32, #tpu.memory_space<vmem>>) target_semaphore(%arg10 : memref<!tpu.dma_semaphore, #tpu.memory_space<semaphore_mem>>)
        } else {
        }
      } else {
      }
    }
    %scan3A_77 = arith.constant 25 : i32
    %dma_wait3A = arith.constant 2 : i32
    %dma_wait3A_78 = arith.constant 2 : i32
    %dma_wait3A_79 = arith.constant 0 : i32
    %dma_wait3A_80 = arith.constant 0 : i32
    %dma_wait3A_81 = arith.constant 0 : i32
    %dma_wait3A_82 = tpu.memref_slice %arg7[%dma_wait3A, %dma_wait3A_80, %dma_wait3A_81] : memref<3x80x128xf32, #tpu.memory_space<vmem>> -> memref<1x80x128xf32, #tpu.memory_space<vmem>>
    %dma_wait3A_83 = tpu.memref_squeeze %dma_wait3A_82 : memref<1x80x128xf32, #tpu.memory_space<vmem>> -> memref<80x128xf32, #tpu.memory_space<vmem>>
    %dma_wait3A_84 = arith.constant 0 : i32
    %dma_wait3A_85 = tpu.memref_slice %arg6[%dma_wait3A_78, %dma_wait3A_79, %dma_wait3A_84] : memref<3x1x80xi32, #tpu.memory_space<vmem>> -> memref<1x1x80xi32, #tpu.memory_space<vmem>>
    %dma_wait3A_86 = tpu.memref_squeeze %dma_wait3A_85 : memref<1x1x80xi32, #tpu.memory_space<vmem>> -> memref<80xi32, #tpu.memory_space<vmem>>
    %dma_wait3A_87 = arith.constant 0 : i32
    %dma_wait3A_88 = arith.constant 0 : i32
    %dma_wait3A_89 = tpu.memref_slice %arg8[%dma_wait3A_87, %dma_wait3A_88] : memref<10000x128xf32, #tpu.memory_space<vmem_shared>> -> memref<10000x128xf32, #tpu.memory_space<vmem_shared>>
    tpu.wait_indirect_dma semaphore(%arg14 : memref<!tpu.dma_semaphore, #tpu.memory_space<semaphore_mem>>) src(%dma_wait3A_83 : memref<80x128xf32, #tpu.memory_space<vmem>>) dst(%dma_wait3A_89 : memref<10000x128xf32, #tpu.memory_space<vmem_shared>>)
    %barrier3A_90 = arith.constant 0 : index
    tpu.barrier barrier_id(%barrier3A_90)
    %mul3A_91 = arith.constant 624 : i32
    %mul3A_92 = arith.muli %arg1, %mul3A_91 : i32
    %mul3A_93 = arith.constant 624 : i32
    %mul3A_94 = arith.muli %arg1, %mul3A_93 : i32
    "tpu.region"() ({
      %run_scoped3A = tpu.sem_alloc : memref<!tpu.dma_semaphore, #tpu.memory_space<semaphore_mem>>
      %dma_start3A_95 = arith.constant 0 : i32
      %dma_start3A_96 = tpu.memref_slice %arg5[%arg0, %mul3A_94, %dma_start3A_95] : memref<2x10000x128xf32, #tpu.memory_space<hbm>> -> memref<1x640x128xf32, #tpu.memory_space<hbm>>
      %dma_start3A_97 = tpu.memref_squeeze %dma_start3A_96 : memref<1x640x128xf32, #tpu.memory_space<hbm>> -> memref<640x128xf32, #tpu.memory_space<hbm>>
      %dma_start3A_98 = arith.constant 0 : i32
      %dma_start3A_99 = tpu.memref_slice %arg8[%mul3A_92, %dma_start3A_98] : memref<10000x128xf32, #tpu.memory_space<vmem_shared>> -> memref<640x128xf32, #tpu.memory_space<vmem_shared>>
      tpu.enqueue_dma source(%dma_start3A_99 : memref<640x128xf32, #tpu.memory_space<vmem_shared>>) target(%dma_start3A_97 : memref<640x128xf32, #tpu.memory_space<hbm>>) target_semaphore(%run_scoped3A : memref<!tpu.dma_semaphore, #tpu.memory_space<semaphore_mem>>)
      %dma_wait3A_100 = arith.constant 0 : i32
      %dma_wait3A_101 = tpu.memref_slice %arg5[%arg0, %mul3A_94, %dma_wait3A_100] : memref<2x10000x128xf32, #tpu.memory_space<hbm>> -> memref<1x640x128xf32, #tpu.memory_space<hbm>>
      %dma_wait3A_102 = tpu.memref_squeeze %dma_wait3A_101 : memref<1x640x128xf32, #tpu.memory_space<hbm>> -> memref<640x128xf32, #tpu.memory_space<hbm>>
      %dma_wait3A_103 = arith.constant 0 : i32
      %dma_wait3A_104 = tpu.memref_slice %arg8[%mul3A_92, %dma_wait3A_103] : memref<10000x128xf32, #tpu.memory_space<vmem_shared>> -> memref<640x128xf32, #tpu.memory_space<vmem_shared>>
      tpu.wait_dma2 semaphore(%run_scoped3A : memref<!tpu.dma_semaphore, #tpu.memory_space<semaphore_mem>>) src(%dma_wait3A_104 : memref<640x128xf32, #tpu.memory_space<vmem_shared>>) dst(%dma_wait3A_102 : memref<640x128xf32, #tpu.memory_space<hbm>>)
      tpu.yield
    }) : () -> ()
    return
  }
}

module attributes {stable_mosaic.version = 14 : i64} {
  func.func @_edge_body(%arg0: i32, %arg1: memref<1600x256xf32, #tpu.memory_space<vmem>>, %arg2: memref<1600x16xf32, #tpu.memory_space<vmem>>, %arg3: memref<16x256xf32, #tpu.memory_space<vmem>>, %arg4: memref<2x1600x128xf32, #tpu.memory_space<vmem>>) attributes {dimension_semantics = [#tpu.dimension_semantics<arbitrary>], iteration_bounds = array<i64: 60>, scalar_prefetch = 0 : i64, scratch_operands = 0 : i64, tpu.core_type = #tpu.core_type<tc>, window_params = [{transform_indices = @transform_0, window_bounds = array<i64: 1600, 256>}, {transform_indices = @transform_1, window_bounds = array<i64: 1600, 16>}, {pipeline_mode = #tpu.pipeline_mode<synchronous>, transform_indices = @transform_2, window_bounds = array<i64: 16, 256>}, {transform_indices = @transform_3, window_bounds = array<i64: 2, 1600, 128>}]} {
    %get3A = arith.constant 0 : index
    %get3A_0 = arith.constant 0 : index
    %get3A_1 = vector.load %arg1[%get3A, %get3A_0] : memref<1600x256xf32, #tpu.memory_space<vmem>>, vector<1600x256xf32>
    %get3A_2 = arith.constant 0 : index
    %get3A_3 = arith.constant 0 : index
    %get3A_4 = vector.load %arg2[%get3A_2, %get3A_3] : memref<1600x16xf32, #tpu.memory_space<vmem>>, vector<1600x16xf32>
    %get3A_5 = arith.constant 0 : index
    %get3A_6 = arith.constant 0 : index
    %get3A_7 = vector.load %arg3[%get3A_5, %get3A_6] : memref<16x256xf32, #tpu.memory_space<vmem>>, vector<16x256xf32>
    %dot_general3A = arith.constant dense<0.000000e+00> : vector<1600x256xf32>
    %dot_general3A_8 = tpu.matmul %get3A_4, %get3A_7, %dot_general3A {dimension_numbers = #tpu.dot_dimension_numbers<[1], [0], [0], [1], [0, 0, 1, 1], [], []>, transpose_lhs_hint = false} : vector<1600x16xf32>, vector<16x256xf32>, vector<1600x256xf32> -> vector<1600x256xf32>
    %mul3A = arith.mulf %get3A_1, %dot_general3A_8 : vector<1600x256xf32>
    %slice3A = vector.extract_strided_slice %mul3A {offsets = [0, 0], sizes = [1600, 128], strides = [1, 1]} : vector<1600x256xf32> to vector<1600x128xf32>
    %swap3A = arith.constant 0 : index
    %swap3A_9 = arith.constant 0 : index
    %swap3A_10 = arith.constant 0 : index
    %swap3A_11 = vector.load %arg4[%swap3A, %swap3A_9, %swap3A_10] : memref<2x1600x128xf32, #tpu.memory_space<vmem>>, vector<1x1600x128xf32>
    %swap3A_12 = vector.shape_cast %swap3A_11 : vector<1x1600x128xf32> to vector<1600x128xf32>
    %swap3A_13 = vector.shape_cast %slice3A : vector<1600x128xf32> to vector<1x1600x128xf32>
    tpu.vector_store %arg4[%swap3A, %swap3A_9, %swap3A_10], %swap3A_13 {strides = array<i32>} : memref<2x1600x128xf32, #tpu.memory_space<vmem>>, vector<1x1600x128xf32>,
    %slice3A_14 = vector.extract_strided_slice %mul3A {offsets = [0, 128], sizes = [1600, 128], strides = [1, 1]} : vector<1600x256xf32> to vector<1600x128xf32>
    %swap3A_15 = arith.constant 1 : index
    %swap3A_16 = arith.constant 0 : index
    %swap3A_17 = arith.constant 0 : index
    %swap3A_18 = vector.load %arg4[%swap3A_15, %swap3A_16, %swap3A_17] : memref<2x1600x128xf32, #tpu.memory_space<vmem>>, vector<1x1600x128xf32>
    %swap3A_19 = vector.shape_cast %swap3A_18 : vector<1x1600x128xf32> to vector<1600x128xf32>
    %swap3A_20 = vector.shape_cast %slice3A_14 : vector<1600x128xf32> to vector<1x1600x128xf32>
    tpu.vector_store %arg4[%swap3A_15, %swap3A_16, %swap3A_17], %swap3A_20 {strides = array<i32>} : memref<2x1600x128xf32, #tpu.memory_space<vmem>>, vector<1x1600x128xf32>,
    return
  }
  func.func @transform_0(%arg0: i32) -> (i32, i32) {
    %add3A = arith.constant 0 : i32
    %add3A_0 = arith.addi %add3A, %arg0 : i32
    %c0_i32 = arith.constant 0 : i32
    %c0_i32_1 = arith.constant 0 : i32
    return %add3A_0, %c0_i32 : i32, i32
  }
  func.func @transform_1(%arg0: i32) -> (i32, i32) {
    %add3A = arith.constant 0 : i32
    %add3A_0 = arith.addi %add3A, %arg0 : i32
    %c0_i32 = arith.constant 0 : i32
    %c0_i32_1 = arith.constant 0 : i32
    return %add3A_0, %c0_i32 : i32, i32
  }
  func.func @transform_2(%arg0: i32) -> (i32, i32) {
    %c0_i32 = arith.constant 0 : i32
    %c0_i32_0 = arith.constant 0 : i32
    %c0_i32_1 = arith.constant 0 : i32
    return %c0_i32, %c0_i32_0 : i32, i32
  }
  func.func @transform_3(%arg0: i32) -> (i32, i32, i32) {
    %c0_i32 = arith.constant 0 : i32
    %c0_i32_0 = arith.constant 0 : i32
    %c0_i32_1 = arith.constant 0 : i32
    return %c0_i32, %arg0, %c0_i32_0 : i32, i32, i32
  }
}

module attributes {stable_mosaic.version = 14 : i64} {
  func.func @_edge_body(%arg0: i32, %arg1: memref<1600x256xf32, #tpu.memory_space<vmem>>, %arg2: memref<1600x16xf32, #tpu.memory_space<vmem>>, %arg3: memref<16x256xf32, #tpu.memory_space<vmem>>, %arg4: memref<2x1600x128xf32, #tpu.memory_space<vmem>>) attributes {dimension_semantics = [#tpu.dimension_semantics<arbitrary>], iteration_bounds = array<i64: 40>, scalar_prefetch = 0 : i64, scratch_operands = 0 : i64, tpu.core_type = #tpu.core_type<tc>, window_params = [{transform_indices = @transform_0, window_bounds = array<i64: 1600, 256>}, {transform_indices = @transform_1, window_bounds = array<i64: 1600, 16>}, {pipeline_mode = #tpu.pipeline_mode<synchronous>, transform_indices = @transform_2, window_bounds = array<i64: 16, 256>}, {transform_indices = @transform_3, window_bounds = array<i64: 2, 1600, 128>}]} {
    %get3A = arith.constant 0 : index
    %get3A_0 = arith.constant 0 : index
    %get3A_1 = vector.load %arg1[%get3A, %get3A_0] : memref<1600x256xf32, #tpu.memory_space<vmem>>, vector<1600x256xf32>
    %get3A_2 = arith.constant 0 : index
    %get3A_3 = arith.constant 0 : index
    %get3A_4 = vector.load %arg2[%get3A_2, %get3A_3] : memref<1600x16xf32, #tpu.memory_space<vmem>>, vector<1600x16xf32>
    %get3A_5 = arith.constant 0 : index
    %get3A_6 = arith.constant 0 : index
    %get3A_7 = vector.load %arg3[%get3A_5, %get3A_6] : memref<16x256xf32, #tpu.memory_space<vmem>>, vector<16x256xf32>
    %dot_general3A = arith.constant dense<0.000000e+00> : vector<1600x256xf32>
    %dot_general3A_8 = tpu.matmul %get3A_4, %get3A_7, %dot_general3A {dimension_numbers = #tpu.dot_dimension_numbers<[1], [0], [0], [1], [0, 0, 1, 1], [], []>, transpose_lhs_hint = false} : vector<1600x16xf32>, vector<16x256xf32>, vector<1600x256xf32> -> vector<1600x256xf32>
    %mul3A = arith.mulf %get3A_1, %dot_general3A_8 : vector<1600x256xf32>
    %slice3A = vector.extract_strided_slice %mul3A {offsets = [0, 0], sizes = [1600, 128], strides = [1, 1]} : vector<1600x256xf32> to vector<1600x128xf32>
    %swap3A = arith.constant 0 : index
    %swap3A_9 = arith.constant 0 : index
    %swap3A_10 = arith.constant 0 : index
    %swap3A_11 = vector.load %arg4[%swap3A, %swap3A_9, %swap3A_10] : memref<2x1600x128xf32, #tpu.memory_space<vmem>>, vector<1x1600x128xf32>
    %swap3A_12 = vector.shape_cast %swap3A_11 : vector<1x1600x128xf32> to vector<1600x128xf32>
    %swap3A_13 = vector.shape_cast %slice3A : vector<1600x128xf32> to vector<1x1600x128xf32>
    tpu.vector_store %arg4[%swap3A, %swap3A_9, %swap3A_10], %swap3A_13 {strides = array<i32>} : memref<2x1600x128xf32, #tpu.memory_space<vmem>>, vector<1x1600x128xf32>,
    %slice3A_14 = vector.extract_strided_slice %mul3A {offsets = [0, 128], sizes = [1600, 128], strides = [1, 1]} : vector<1600x256xf32> to vector<1600x128xf32>
    %swap3A_15 = arith.constant 1 : index
    %swap3A_16 = arith.constant 0 : index
    %swap3A_17 = arith.constant 0 : index
    %swap3A_18 = vector.load %arg4[%swap3A_15, %swap3A_16, %swap3A_17] : memref<2x1600x128xf32, #tpu.memory_space<vmem>>, vector<1x1600x128xf32>
    %swap3A_19 = vector.shape_cast %swap3A_18 : vector<1x1600x128xf32> to vector<1600x128xf32>
    %swap3A_20 = vector.shape_cast %slice3A_14 : vector<1600x128xf32> to vector<1x1600x128xf32>
    tpu.vector_store %arg4[%swap3A_15, %swap3A_16, %swap3A_17], %swap3A_20 {strides = array<i32>} : memref<2x1600x128xf32, #tpu.memory_space<vmem>>, vector<1x1600x128xf32>,
    return
  }
  func.func @transform_0(%arg0: i32) -> (i32, i32) {
    %add3A = arith.constant 60 : i32
    %add3A_0 = arith.addi %add3A, %arg0 : i32
    %c0_i32 = arith.constant 0 : i32
    %c0_i32_1 = arith.constant 0 : i32
    return %add3A_0, %c0_i32 : i32, i32
  }
  func.func @transform_1(%arg0: i32) -> (i32, i32) {
    %add3A = arith.constant 60 : i32
    %add3A_0 = arith.addi %add3A, %arg0 : i32
    %c0_i32 = arith.constant 0 : i32
    %c0_i32_1 = arith.constant 0 : i32
    return %add3A_0, %c0_i32 : i32, i32
  }
  func.func @transform_2(%arg0: i32) -> (i32, i32) {
    %c0_i32 = arith.constant 0 : i32
    %c0_i32_0 = arith.constant 0 : i32
    %c0_i32_1 = arith.constant 0 : i32
    return %c0_i32, %c0_i32_0 : i32, i32
  }
  func.func @transform_3(%arg0: i32) -> (i32, i32, i32) {
    %c0_i32 = arith.constant 0 : i32
    %c0_i32_0 = arith.constant 0 : i32
    %c0_i32_1 = arith.constant 0 : i32
    return %c0_i32, %arg0, %c0_i32_0 : i32, i32, i32
  }
}

module attributes {stable_mosaic.version = 14 : i64} {
  func.func @_mlp_body(%arg0: i32, %arg1: memref<2x2000x128xf32, #tpu.memory_space<vmem>>, %arg2: memref<256x512xf32, #tpu.memory_space<vmem>>, %arg3: memref<512x512xf32, #tpu.memory_space<vmem>>, %arg4: memref<512x512xf32, #tpu.memory_space<vmem>>, %arg5: memref<512x512xf32, #tpu.memory_space<vmem>>, %arg6: memref<512x512xf32, #tpu.memory_space<vmem>>, %arg7: memref<512x512xf32, #tpu.memory_space<vmem>>, %arg8: memref<512x512xf32, #tpu.memory_space<vmem>>, %arg9: memref<2000x512xf32, #tpu.memory_space<vmem>>) attributes {dimension_semantics = [#tpu.dimension_semantics<arbitrary>], iteration_bounds = array<i64: 5>, scalar_prefetch = 0 : i64, scratch_operands = 0 : i64, tpu.core_type = #tpu.core_type<tc>, window_params = [{transform_indices = @transform_0, window_bounds = array<i64: 2, 2000, 128>}, {pipeline_mode = #tpu.pipeline_mode<synchronous>, transform_indices = @transform_1, window_bounds = array<i64: 256, 512>}, {pipeline_mode = #tpu.pipeline_mode<synchronous>, transform_indices = @transform_2, window_bounds = array<i64: 512, 512>}, {pipeline_mode = #tpu.pipeline_mode<synchronous>, transform_indices = @transform_3, window_bounds = array<i64: 512, 512>}, {pipeline_mode = #tpu.pipeline_mode<synchronous>, transform_indices = @transform_4, window_bounds = array<i64: 512, 512>}, {pipeline_mode = #tpu.pipeline_mode<synchronous>, transform_indices = @transform_5, window_bounds = array<i64: 512, 512>}, {pipeline_mode = #tpu.pipeline_mode<synchronous>, transform_indices = @transform_6, window_bounds = array<i64: 512, 512>}, {pipeline_mode = #tpu.pipeline_mode<synchronous>, transform_indices = @transform_7, window_bounds = array<i64: 512, 512>}, {transform_indices = @transform_8, window_bounds = array<i64: 2000, 512>}]} {
    %get3A = arith.constant 0 : index
    %get3A_0 = arith.constant 0 : index
    %get3A_1 = arith.constant 0 : index
    %get3A_2 = vector.load %arg1[%get3A, %get3A_0, %get3A_1] : memref<2x2000x128xf32, #tpu.memory_space<vmem>>, vector<1x2000x128xf32>
    %get3A_3 = vector.shape_cast %get3A_2 : vector<1x2000x128xf32> to vector<2000x128xf32>
    %get3A_4 = arith.constant 1 : index
    %get3A_5 = arith.constant 0 : index
    %get3A_6 = arith.constant 0 : index
    %get3A_7 = vector.load %arg1[%get3A_4, %get3A_5, %get3A_6] : memref<2x2000x128xf32, #tpu.memory_space<vmem>>, vector<1x2000x128xf32>
    %get3A_8 = vector.shape_cast %get3A_7 : vector<1x2000x128xf32> to vector<2000x128xf32>
    %concatenate3A = tpu.concatenate %get3A_3, %get3A_8 in 1 : vector<2000x128xf32>, vector<2000x128xf32> -> vector<2000x256xf32>
    %get3A_9 = arith.constant 0 : index
    %get3A_10 = arith.constant 0 : index
    %get3A_11 = vector.load %arg2[%get3A_9, %get3A_10] : memref<256x512xf32, #tpu.memory_space<vmem>>, vector<256x512xf32>
    %dot_general3A = arith.constant dense<0.000000e+00> : vector<2000x512xf32>
    %dot_general3A_12 = tpu.matmul %concatenate3A, %get3A_11, %dot_general3A {dimension_numbers = #tpu.dot_dimension_numbers<[1], [0], [0], [1], [0, 0, 1, 1], [], []>, transpose_lhs_hint = false} : vector<2000x256xf32>, vector<256x512xf32>, vector<2000x512xf32> -> vector<2000x512xf32>
    %neg3A = arith.constant 0.000000e+00 : f32
    %neg3A_13 = vector.broadcast %neg3A : f32 to vector<2000x512xf32>
    %neg3A_14 = arith.subf %neg3A_13, %dot_general3A_12 : vector<2000x512xf32>
    %exp3A = math.exp %neg3A_14 : vector<2000x512xf32>
    %add3A = arith.constant 1.000000e+00 : f32
    %add3A_15 = vector.broadcast %add3A : f32 to vector<2000x512xf32>
    %add3A_16 = arith.addf %add3A_15, %exp3A : vector<2000x512xf32>
    %div3A = arith.divf %dot_general3A_12, %add3A_16 : vector<2000x512xf32>
    %get3A_17 = arith.constant 0 : index
    %get3A_18 = arith.constant 0 : index
    %get3A_19 = vector.load %arg3[%get3A_17, %get3A_18] : memref<512x512xf32, #tpu.memory_space<vmem>>, vector<512x512xf32>
    %dot_general3A_20 = arith.constant dense<0.000000e+00> : vector<2000x512xf32>
    %dot_general3A_21 = tpu.matmul %div3A, %get3A_19, %dot_general3A_20 {dimension_numbers = #tpu.dot_dimension_numbers<[1], [0], [0], [1], [0, 0, 1, 1], [], []>, transpose_lhs_hint = false} : vector<2000x512xf32>, vector<512x512xf32>, vector<2000x512xf32> -> vector<2000x512xf32>
    %neg3A_22 = arith.constant 0.000000e+00 : f32
    %neg3A_23 = vector.broadcast %neg3A_22 : f32 to vector<2000x512xf32>
    %neg3A_24 = arith.subf %neg3A_23, %dot_general3A_21 : vector<2000x512xf32>
    %exp3A_25 = math.exp %neg3A_24 : vector<2000x512xf32>
    %add3A_26 = arith.constant 1.000000e+00 : f32
    %add3A_27 = vector.broadcast %add3A_26 : f32 to vector<2000x512xf32>
    %add3A_28 = arith.addf %add3A_27, %exp3A_25 : vector<2000x512xf32>
    %div3A_29 = arith.divf %dot_general3A_21, %add3A_28 : vector<2000x512xf32>
    %get3A_30 = arith.constant 0 : index
    %get3A_31 = arith.constant 0 : index
    %get3A_32 = vector.load %arg4[%get3A_30, %get3A_31] : memref<512x512xf32, #tpu.memory_space<vmem>>, vector<512x512xf32>
    %dot_general3A_33 = arith.constant dense<0.000000e+00> : vector<2000x512xf32>
    %dot_general3A_34 = tpu.matmul %div3A_29, %get3A_32, %dot_general3A_33 {dimension_numbers = #tpu.dot_dimension_numbers<[1], [0], [0], [1], [0, 0, 1, 1], [], []>, transpose_lhs_hint = false} : vector<2000x512xf32>, vector<512x512xf32>, vector<2000x512xf32> -> vector<2000x512xf32>
    %neg3A_35 = arith.constant 0.000000e+00 : f32
    %neg3A_36 = vector.broadcast %neg3A_35 : f32 to vector<2000x512xf32>
    %neg3A_37 = arith.subf %neg3A_36, %dot_general3A_34 : vector<2000x512xf32>
    %exp3A_38 = math.exp %neg3A_37 : vector<2000x512xf32>
    %add3A_39 = arith.constant 1.000000e+00 : f32
    %add3A_40 = vector.broadcast %add3A_39 : f32 to vector<2000x512xf32>
    %add3A_41 = arith.addf %add3A_40, %exp3A_38 : vector<2000x512xf32>
    %div3A_42 = arith.divf %dot_general3A_34, %add3A_41 : vector<2000x512xf32>
    %add3A_43 = arith.addf %div3A, %div3A_42 : vector<2000x512xf32>
    %mul3A = arith.constant 0.707106769 : f32
    %mul3A_44 = vector.broadcast %mul3A : f32 to vector<2000x512xf32>
    %mul3A_45 = arith.mulf %add3A_43, %mul3A_44 : vector<2000x512xf32>
    %get3A_46 = arith.constant 0 : index
    %get3A_47 = arith.constant 0 : index
    %get3A_48 = vector.load %arg5[%get3A_46, %get3A_47] : memref<512x512xf32, #tpu.memory_space<vmem>>, vector<512x512xf32>
    %dot_general3A_49 = arith.constant dense<0.000000e+00> : vector<2000x512xf32>
    %dot_general3A_50 = tpu.matmul %mul3A_45, %get3A_48, %dot_general3A_49 {dimension_numbers = #tpu.dot_dimension_numbers<[1], [0], [0], [1], [0, 0, 1, 1], [], []>, transpose_lhs_hint = false} : vector<2000x512xf32>, vector<512x512xf32>, vector<2000x512xf32> -> vector<2000x512xf32>
    %neg3A_51 = arith.constant 0.000000e+00 : f32
    %neg3A_52 = vector.broadcast %neg3A_51 : f32 to vector<2000x512xf32>
    %neg3A_53 = arith.subf %neg3A_52, %dot_general3A_50 : vector<2000x512xf32>
    %exp3A_54 = math.exp %neg3A_53 : vector<2000x512xf32>
    %add3A_55 = arith.constant 1.000000e+00 : f32
    %add3A_56 = vector.broadcast %add3A_55 : f32 to vector<2000x512xf32>
    %add3A_57 = arith.addf %add3A_56, %exp3A_54 : vector<2000x512xf32>
    %div3A_58 = arith.divf %dot_general3A_50, %add3A_57 : vector<2000x512xf32>
    %get3A_59 = arith.constant 0 : index
    %get3A_60 = arith.constant 0 : index
    %get3A_61 = vector.load %arg6[%get3A_59, %get3A_60] : memref<512x512xf32, #tpu.memory_space<vmem>>, vector<512x512xf32>
    %dot_general3A_62 = arith.constant dense<0.000000e+00> : vector<2000x512xf32>
    %dot_general3A_63 = tpu.matmul %div3A_58, %get3A_61, %dot_general3A_62 {dimension_numbers = #tpu.dot_dimension_numbers<[1], [0], [0], [1], [0, 0, 1, 1], [], []>, transpose_lhs_hint = false} : vector<2000x512xf32>, vector<512x512xf32>, vector<2000x512xf32> -> vector<2000x512xf32>
    %neg3A_64 = arith.constant 0.000000e+00 : f32
    %neg3A_65 = vector.broadcast %neg3A_64 : f32 to vector<2000x512xf32>
    %neg3A_66 = arith.subf %neg3A_65, %dot_general3A_63 : vector<2000x512xf32>
    %exp3A_67 = math.exp %neg3A_66 : vector<2000x512xf32>
    %add3A_68 = arith.constant 1.000000e+00 : f32
    %add3A_69 = vector.broadcast %add3A_68 : f32 to vector<2000x512xf32>
    %add3A_70 = arith.addf %add3A_69, %exp3A_67 : vector<2000x512xf32>
    %div3A_71 = arith.divf %dot_general3A_63, %add3A_70 : vector<2000x512xf32>
    %add3A_72 = arith.addf %mul3A_45, %div3A_71 : vector<2000x512xf32>
    %mul3A_73 = arith.constant 0.707106769 : f32
    %mul3A_74 = vector.broadcast %mul3A_73 : f32 to vector<2000x512xf32>
    %mul3A_75 = arith.mulf %add3A_72, %mul3A_74 : vector<2000x512xf32>
    %get3A_76 = arith.constant 0 : index
    %get3A_77 = arith.constant 0 : index
    %get3A_78 = vector.load %arg7[%get3A_76, %get3A_77] : memref<512x512xf32, #tpu.memory_space<vmem>>, vector<512x512xf32>
    %dot_general3A_79 = arith.constant dense<0.000000e+00> : vector<2000x512xf32>
    %dot_general3A_80 = tpu.matmul %mul3A_75, %get3A_78, %dot_general3A_79 {dimension_numbers = #tpu.dot_dimension_numbers<[1], [0], [0], [1], [0, 0, 1, 1], [], []>, transpose_lhs_hint = false} : vector<2000x512xf32>, vector<512x512xf32>, vector<2000x512xf32> -> vector<2000x512xf32>
    %neg3A_81 = arith.constant 0.000000e+00 : f32
    %neg3A_82 = vector.broadcast %neg3A_81 : f32 to vector<2000x512xf32>
    %neg3A_83 = arith.subf %neg3A_82, %dot_general3A_80 : vector<2000x512xf32>
    %exp3A_84 = math.exp %neg3A_83 : vector<2000x512xf32>
    %add3A_85 = arith.constant 1.000000e+00 : f32
    %add3A_86 = vector.broadcast %add3A_85 : f32 to vector<2000x512xf32>
    %add3A_87 = arith.addf %add3A_86, %exp3A_84 : vector<2000x512xf32>
    %div3A_88 = arith.divf %dot_general3A_80, %add3A_87 : vector<2000x512xf32>
    %get3A_89 = arith.constant 0 : index
    %get3A_90 = arith.constant 0 : index
    %get3A_91 = vector.load %arg8[%get3A_89, %get3A_90] : memref<512x512xf32, #tpu.memory_space<vmem>>, vector<512x512xf32>
    %dot_general3A_92 = arith.constant dense<0.000000e+00> : vector<2000x512xf32>
    %dot_general3A_93 = tpu.matmul %div3A_88, %get3A_91, %dot_general3A_92 {dimension_numbers = #tpu.dot_dimension_numbers<[1], [0], [0], [1], [0, 0, 1, 1], [], []>, transpose_lhs_hint = false} : vector<2000x512xf32>, vector<512x512xf32>, vector<2000x512xf32> -> vector<2000x512xf32>
    %neg3A_94 = arith.constant 0.000000e+00 : f32
    %neg3A_95 = vector.broadcast %neg3A_94 : f32 to vector<2000x512xf32>
    %neg3A_96 = arith.subf %neg3A_95, %dot_general3A_93 : vector<2000x512xf32>
    %exp3A_97 = math.exp %neg3A_96 : vector<2000x512xf32>
    %add3A_98 = arith.constant 1.000000e+00 : f32
    %add3A_99 = vector.broadcast %add3A_98 : f32 to vector<2000x512xf32>
    %add3A_100 = arith.addf %add3A_99, %exp3A_97 : vector<2000x512xf32>
    %div3A_101 = arith.divf %dot_general3A_93, %add3A_100 : vector<2000x512xf32>
    %add3A_102 = arith.addf %mul3A_75, %div3A_101 : vector<2000x512xf32>
    %mul3A_103 = arith.constant 0.707106769 : f32
    %mul3A_104 = vector.broadcast %mul3A_103 : f32 to vector<2000x512xf32>
    %mul3A_105 = arith.mulf %add3A_102, %mul3A_104 : vector<2000x512xf32>
    %swap3A = arith.constant 0 : index
    %swap3A_106 = arith.constant 0 : index
    %swap3A_107 = vector.load %arg9[%swap3A, %swap3A_106] : memref<2000x512xf32, #tpu.memory_space<vmem>>, vector<2000x512xf32>
    tpu.vector_store %arg9[%swap3A, %swap3A_106], %mul3A_105 {strides = array<i32>} : memref<2000x512xf32, #tpu.memory_space<vmem>>, vector<2000x512xf32>,
    return
  }
  func.func @transform_0(%arg0: i32) -> (i32, i32, i32) {
    %c0_i32 = arith.constant 0 : i32
    %c0_i32_0 = arith.constant 0 : i32
    %c0_i32_1 = arith.constant 0 : i32
    return %c0_i32, %arg0, %c0_i32_0 : i32, i32, i32
  }
  func.func @transform_1(%arg0: i32) -> (i32, i32) {
    %c0_i32 = arith.constant 0 : i32
    %c0_i32_0 = arith.constant 0 : i32
    %c0_i32_1 = arith.constant 0 : i32
    return %c0_i32, %c0_i32_0 : i32, i32
  }
  func.func @transform_2(%arg0: i32) -> (i32, i32) {
    %c0_i32 = arith.constant 0 : i32
    %c0_i32_0 = arith.constant 0 : i32
    %c0_i32_1 = arith.constant 0 : i32
    return %c0_i32, %c0_i32_0 : i32, i32
  }
  func.func @transform_3(%arg0: i32) -> (i32, i32) {
    %c0_i32 = arith.constant 0 : i32
    %c0_i32_0 = arith.constant 0 : i32
    %c0_i32_1 = arith.constant 0 : i32
    return %c0_i32, %c0_i32_0 : i32, i32
  }
  func.func @transform_4(%arg0: i32) -> (i32, i32) {
    %c0_i32 = arith.constant 0 : i32
    %c0_i32_0 = arith.constant 0 : i32
    %c0_i32_1 = arith.constant 0 : i32
    return %c0_i32, %c0_i32_0 : i32, i32
  }
  func.func @transform_5(%arg0: i32) -> (i32, i32) {
    %c0_i32 = arith.constant 0 : i32
    %c0_i32_0 = arith.constant 0 : i32
    %c0_i32_1 = arith.constant 0 : i32
    return %c0_i32, %c0_i32_0 : i32, i32
  }
  func.func @transform_6(%arg0: i32) -> (i32, i32) {
    %c0_i32 = arith.constant 0 : i32
    %c0_i32_0 = arith.constant 0 : i32
    %c0_i32_1 = arith.constant 0 : i32
    return %c0_i32, %c0_i32_0 : i32, i32
  }
  func.func @transform_7(%arg0: i32) -> (i32, i32) {
    %c0_i32 = arith.constant 0 : i32
    %c0_i32_0 = arith.constant 0 : i32
    %c0_i32_1 = arith.constant 0 : i32
    return %c0_i32, %c0_i32_0 : i32, i32
  }
  func.func @transform_8(%arg0: i32) -> (i32, i32) {
    %c0_i32 = arith.constant 0 : i32
    %c0_i32_0 = arith.constant 0 : i32
    return %arg0, %c0_i32 : i32, i32
  }
}

</mosaic_0001>

<sc_bundles>
// kernel: kernel.10.cloned.1.call-start
scs
__scs_entry_jumppad:
0x0: {  	(pc) =	sbr.rel $0x88, $3  }
0x1: {  	(tag) =	ssettag $0x0;
	lr =	simm.s32 $0x1  }
0x2: {  	[smem:$0x3F96] =	sst lr;
	_ =	strace $0xD0000000  }
0x3: {  	_ = 	snop  }
0x4: {  	_ = 	snop  }
0x5: {  	_ = 	snop  }
0x6: {  	_ = 	snop  }
0x7: {  	_ = 	snop  }
__scs_overlays_trampoline_lowered:
0x8: {  	[smem:$0x3FA5] =	sst s0  }
0x9: {  	[smem:$0x3FA6] =	sst s1  }
0xa: {  	[smem:$0x3FA7] =	sst s2  }
0xb: {  	[smem:$0x3FA8] =	sst s3  }
0xc: {  	[smem:$0x3FA9] =	sst s4  }
0xd: {  	[smem:$0x3FAA] =	sst s5  }
0xe: {  	[smem:$0x3FAB] =	sst s6  }
0xf: {  	[smem:$0x3FAC] =	sst s7  }
0x10: {  	[smem:$0x3FAD] =	sst s8  }
0x11: {  	[smem:$0x3FAE] =	sst s9;
	s0 =	simm.s32 @!p0 $0x0  }
0x12: {  	s1 =	sld [smem:$0x3F94];
	s0 =	simm.s32 @p0 $0x1  }
0x13: {  	[smem:$0x3FAF] =	sst s0;
	s0 =	simm.s32 @!p1 $0x0  }
0x14: {  	s2 =	sld [smem:$0x3F93];
	s0 =	simm.s32 @p1 $0x1  }
0x15: {  	[smem:$0x3FB0] =	sst s0;
	s0 =	simm.s32 @!p2 $0x0  }
0x16: {  	s3 =	sld [smem:$0x3FDB];
	s0 =	simm.s32 @p2 $0x1  }
0x17: {  	s4 =	simm.s32 $0x1BF5;
	[smem:$0x3FB2] =	sst s0  }
0x18: {  	s0 =	sld [smem:$0x3F95];
	_ =	swait.ge [sflag:s4], $0x0  }
0x19: {  	s7 =	sld [smem:$0x3F96]  }
0x1a: {  	s8 =	sadd.s32 $0xFFFFE003, lr  }
0x1b: {  	s9 =	sadd.s32 $0xFFFFFEF7, lr;
	s5 =	simm.s32 $0xFFFFFFFF;
	p2 =	slt.u32 s8, $0xFFFFF086  }
0x1c: {  	p1 =	slt.u32 s9, $0xF7A;
	s5 =	simm.s32 @!p2 $0x0  }
0x1d: {  	s5 =	simm.s32 @p1 $0x1;
	p0 =	seq.s32 s7, s2  }
0x1e: {  	s7 =	smul.u32 @!p0 $0xF7A, s2;
	p2 =	seq.s32 @!p0 s5, $0x0  }
0x1f: {  	s9 =	smul.u32 $0xF7A, s1;
	s8 =	simm.s32 @!p0 $0x1BF5;
	p2 =	por !p2, p0  }
0x20: {  	[sflag:s8] =	ssyncset.s32 @!p0 $0xFFFFF086;
	s6 =	sadd.s32 @!p0 s3, s7;
	s7 =	simm.s32 @!p0 $0x108  }
0x21: {  	s3 =	sadd.s32 s3, s9;
	s6 =	sadd.s32 @!p0 $0x88, s6;
	s7 =	simm.s32 @p2 $0x1082  }
0x22: {  	[simem:s7], [sflag:s8] =	dma.local @!p0 [hbm:s6], $0xF7A  }
0x23: {  	s9 =	sor.u32 $0xD0000000, s2;
	s6 =	simm.s32 $0x108;
	_ =	swait.ge @!p0 [sflag:s8], $0x0  }
0x24: {  	s3 =	sadd.s32 $0x88, s3;
	s6 =	simm.s32 @!p1 $0x1082;
	[sflag:s4] =	ssyncset.s32 $0xFFFFF086  }
0x25: {  	[simem:s6], [sflag:s4] =	dma.local [hbm:s3], $0xF7A  }
0x26: {  	[smem:$0x3F96] =	sst s1;
	(tag) =	ssettag s2;
	_ =	strace s9  }
0x27: {  	s1 =	sld [smem:$0x3FA6]  }
0x28: {  	s2 =	sld [smem:$0x3FA7]  }
0x29: {  	s4 =	sld [smem:$0x3FA9]  }
0x2a: {  	p0 =	seq.s32 s5, $0x0;
	s5 =	sld [smem:$0x3FAA]  }
0x2b: {  	s6 =	sld [smem:$0x3FAB]  }
0x2c: {  	s7 =	sld [smem:$0x3FAC]  }
0x2d: {  	s3 =	simm.s32 $0x108;
	s8 =	sld [smem:$0x3FAD]  }
0x2e: {  	s3 =	simm.s32 @!p0 $0x1082;
	s9 =	sld [smem:$0x3FAE]  }
0x2f: {  	lr =	sadd.s32 s0, s3;
	s0 =	sld [smem:$0x3FA5]  }
0x30: {  	s3 =	sld [smem:$0x3FA8]  }
0x31: {  	[smem:$0x3FB1] =	sst s10  }
0x32: {  	s10 =	sld [smem:$0x3FAF];
	_ =	sdelay $0x3  }
0x33: {  	p0 =	seq.s32 s10, $0x1;
	s10 =	sld [smem:$0x3FB1];
	_ =	sdelay $0x3  }
0x34: {  	[smem:$0x3FB1] =	sst s10  }
0x35: {  	s10 =	sld [smem:$0x3FB0];
	_ =	sdelay $0x3  }
0x36: {  	p1 =	seq.s32 s10, $0x1;
	s10 =	sld [smem:$0x3FB1];
	_ =	sdelay $0x3  }
0x37: {  	[smem:$0x3FB1] =	sst s10  }
0x38: {  	s10 =	sld [smem:$0x3FB2]  }
0x39: {  	_ = 	snop;
	(pc) =	sbr.ind lr, $3  }
0x3a: {  	_ = 	snop  }
0x3b: {  	_ = 	snop  }
0x3c: {  	p2 =	seq.s32 s10, $0x1;
	s10 =	sld [smem:$0x3FB1]  }
0x3d: {  	_ =	shalt  }
0x3e: {  	_ =	shalt  }
0x3f: {  	_ =	shalt  }
0x40: {  	_ =	shalt  }
0x41: {  	_ =	shalt  }
0x42: {  	_ =	shalt  }
0x43: {  	_ =	shalt  }
0x44: {  	_ =	shalt  }
0x45: {  	_ =	shalt  }
0x46: {  	_ =	shalt  }
0x47: {  	_ =	shalt  }
0x48: {  	_ =	shalt  }
0x49: {  	_ =	shalt  }
0x4a: {  	_ =	shalt  }
0x4b: {  	_ =	shalt  }
0x4c: {  	_ =	shalt  }
0x4d: {  	_ =	shalt  }
0x4e: {  	_ =	shalt  }
0x4f: {  	_ =	shalt  }
0x50: {  	_ =	shalt  }
0x51: {  	_ =	shalt  }
0x52: {  	_ =	shalt  }
0x53: {  	_ =	shalt  }
0x54: {  	_ =	shalt  }
0x55: {  	_ =	shalt  }
0x56: {  	_ =	shalt  }
0x57: {  	_ =	shalt  }
0x58: {  	_ =	shalt  }
0x59: {  	_ =	shalt  }
0x5a: {  	_ =	shalt  }
0x5b: {  	_ =	shalt  }
0x5c: {  	_ =	shalt  }
0x5d: {  	_ =	shalt  }
0x5e: {  	_ =	shalt  }
0x5f: {  	_ =	shalt  }
0x60: {  	_ =	shalt  }
0x61: {  	_ =	shalt  }
0x62: {  	_ =	shalt  }
0x63: {  	_ =	shalt  }
0x64: {  	_ =	shalt  }
0x65: {  	_ =	shalt  }
0x66: {  	_ =	shalt  }
0x67: {  	_ =	shalt  }
0x68: {  	_ =	shalt  }
0x69: {  	_ =	shalt  }
0x6a: {  	_ =	shalt  }
0x6b: {  	_ =	shalt  }
0x6c: {  	_ =	shalt  }
0x6d: {  	_ =	shalt  }
0x6e: {  	_ =	shalt  }
0x6f: {  	_ =	shalt  }
0x70: {  	_ =	shalt  }
0x71: {  	_ =	shalt  }
0x72: {  	_ =	shalt  }
0x73: {  	_ =	shalt  }
0x74: {  	_ =	shalt  }
0x75: {  	_ =	shalt  }
0x76: {  	_ =	shalt  }
0x77: {  	_ =	shalt  }
0x78: {  	_ =	shalt  }
0x79: {  	_ =	shalt  }
0x7a: {  	_ =	shalt  }
0x7b: {  	_ =	shalt  }
0x7c: {  	_ =	shalt  }
0x7d: {  	_ =	shalt  }
0x7e: {  	_ =	shalt  }
0x7f: {  	_ =	shalt  }
0x80: {  	_ =	shalt  }
0x81: {  	_ =	shalt  }
0x82: {  	_ =	shalt  }
0x83: {  	_ =	shalt  }
0x84: {  	_ =	shalt  }
0x85: {  	_ =	shalt  }
0x86: {  	_ =	shalt  }
0x87: {  	_ =	shalt  }
.Lfunc_end0:
.L_simem_size_0:
called_computation.1_lowered:
.L_overlay_start_0:
0x88: {  	s2 =	sld [smem:$0x3FD9]  }
0x89: {  	s3 =	sld [smem:$0x3FFE];
	_ =	sdelay $0x1  }
0x8a: {  	s1 =	srdreg.scid  }
0x8b: {  	s0 =	sand.u32 $0x1, s1  }
0x8c: {  	s17 =	sshll.u32 s0, $0xA;
	s2 =	sadd.s32 s3, s2  }
0x8d: {  	s2 =	sadd.s32 s2, s17  }
0x8e: {  	[smem:$0x3FBD] =	sst s2  }
0x8f: {  	_ = 	snop  }
0x90: {  	s2 =	sld [smem:$0x3FD0];
	(tm) =	ssettm $0x1  }
0x91: {  	s18 =	sld [smem:$0x3FFB];
	_ =	sdelay $0x3  }
0x92: {  	_ =	strace s18  }
0x93: {  	s3 =	sld [smem:$0x3FFC];
	_ =	sdelay $0x3  }
0x94: {  	_ =	strace s3  }
0x95: {  	s3 =	sld [smem:$0x3FFD];
	_ =	sdelay $0x3  }
0x96: {  	_ =	strace s3  }
0x97: {  	_ =	strace $0x8FFFFFFF  }
0x98: {  	s19 =	sld [smem:$0x3FDB];
	_ =	sdelay $0x1  }
0x99: {  	s4 =	simm.s32 $_scs_section_size  }
0x9a: {  	s5 =	simm.s32 $_size__tile_overlayer_lowered;
	s6 =	simm.s32 $_tile_overlayer_lowered  }
0x9b: {  	s22 =	simm.s32 $0x1BFF;
	s21 =	sshll.u32 s6, $0x1;
	s3 =	sadd.s32 s4, s19  }
0x9c: {  	s7 =	simm.s32 $0x0;
	s20 =	sshll.u32 s5, $0x1;
	s5 =	sadd.s32 s21, s3  }
0x9d: {  	[timem:s7], [sflag:s22] =	dma.local [hbm:s5], s20  }
0x9e: {  	_ =	swait.ge [sflag:s22], s20  }
0x9f: {  	s4 =	ssub.s32 $0x0, s20;
	[sflag:s22] =	ssyncset.done $0x0  }
0xa0: {  	[sflag:s22] =	ssyncadd.s32 s4;
	_ =	sdelay $0x1  }
0xa1: {  	s23 =	simm.s32 $0x1B8B  }
0xa2: {  	_ =	swait.ge [sflag:s23], $0x1  }
0xa3: {  	[sflag:s23] =	ssyncset.done $0x0  }
0xa4: {  	s25 =	simm.s32 $0x1B8E;
	s24 =	sld [smem:$0x3FFE];
	[sflag:s23] =	ssyncadd.s32 $0xFFFFFFFF  }
0xa5: {  	s26 =	simm.s32 $execute0_lowered;
	[smem:$0x3FD2] =	sst s25  }
0xa6: {  	s5 =	sshll.u32 s26, $0x1;
	_ =	strace $0x80000049;
	[dreg:$0x1] =	wrdreg $0xFFFFFFFF  }
0xa7: {  	s28 =	simm.s32 $_size_execute0_lowered;
	s3 =	sadd.s32 s3, s5;
	[dreg:$0x0] =	wrdreg $0x0  }
0xa8: {  	s5 =	sshll.u32 s28, $0x1;
	[dreg:$0x2] =	wrdreg s3  }
0xa9: {  	[dreg:$0x3] =	wrdreg s5  }
0xaa: {  	[dreg:$0x4] =	wrdreg $0xC0  }
0xab: {  	_ =	task [dreg:s7], $0x5FFFF  }
0xac: {  	[dreg:$0x1] =	wrdreg $0xFFFFFFFF  }
0xad: {  	[dreg:$0x0] =	wrdreg $0x60  }
0xae: {  	[dreg:$0x2] =	wrdreg s24  }
0xaf: {  	[dreg:$0x3] =	wrdreg s2  }
0xb0: {  	[dreg:$0x4] =	wrdreg $0x79800  }
0xb1: {  	[dreg:$0x5] =	wrdreg $0x9  }
0xb2: {  	_ =	task.clear_ibuf [dreg:s7], $0x6FFFF;
	_ =	strace $0x90000049  }
0xb3: {  	s29 =	simm.s32 $0x9;
	_ =	strace $0x8000004B  }
0xb4: {  	_ =	swait.ge [sflag:s29], $0x1  }
0xb5: {  	[sflag:s29] =	ssyncadd.s32 $0xFFFFFFFF  }
0xb6: {  	_ =	strace $0x9000004B  }
0xb7: {  	_ =	sfence  }
0xb8: {  	s30 =	sld [smem:$0x0];
	_ =	sdelay $0x2  }
0xb9: {  	s31 =	sshll.u32 s1, $0xD;
	s1 =	sshrl.u32 s1, $0x2  }
0xba: {  	s3 =	sand.u32 $0x4000, s31;
	s1 =	sadd.s32 s1, s30  }
0xbb: {  	s0 =	sor.u32 s3, s0;
	s1 =	sshll.u32 s1, $0x11  }
0xbc: {  	s0 =	sor.u32 s1, s0  }
0xbd: {  	s0 =	sadd.s32 $0x8F2B, s0  }
0xbe: {  	[sflag:s0] =	ssyncadd.remote.s32 $0x1  }
0xbf: {  	_ =	sfence.sel $0xFFFF  }
0xc0: {  	[dreg:$0x0] =	wrdreg $0xFFFFFFFF;
	(pc) =	sbr.abs _section_cstart, $3  }
0xc1: {  	[dreg:$0x1] =	wrdreg $0xFFFFFFFF  }
0xc2: {  	_ =	task.clear_ibuf [dreg:s7], $0x2FFFF;
	_ =	strace $0x9FFFFFFF  }
0xc3: {  	(tm) =	ssettm $0x7FFFFFFF  }
tec
execute0_lowered:
.L_overlay_start_1:
0x0: {  	(tag) =	ssettag $0x1  }
0x1: {  	s0 =	rddreg [dreg:$0x0]  }
0x2: {  	s2 =	rddreg [dreg:$0x1]  }
0x3: {  	s1 =	rddreg [dreg:$0x2];
	s3 =	srdreg.scid  }
0x4: {  	s14 =	stileid.u32;
	s20 =	simm.s32 $0x7;
	s21 =	simm.s32 $0x180  }
0x5: {  	s28 =	simm.s32 $0x4;
	s29 =	simm.s32 $0x5;
	s30 =	simm.s32 $0x5180  }
0x6: {  	s31 =	simm.s32 $0x100;
	s6 =	sand.u32 $0x1, s3;
	s8 =	smul.u32 $0x13800, s14  }
0x7: {  	s3 =	simm.s32 $0x0;
	s4 =	sadd.s32 $0x5B1A00, s0;
	s22 =	smul.u32 $0x4E000, s14  }
0x8: {  	s5 =	sadd.s32 $0x2000, s0;
	s11 =	smul.u32 $0x7D000, s14;
	s25 =	sshll.u32 s14, $0x6  }
0x9: {  	s7 =	smul.u32 $0x138800, s6;
	[smem:$0x7FF] =	sst s3;
	s23 =	ssub.s32 $0x2, s6  }
0xa: {  	s6 =	smul.u32 $0x7D0000, s6;
	_ =	strace $0x8000004A;
	s9 =	sshrl.u32 s23, $0x1  }
0xb: {  	s7 =	sadd.s32 s8, s7;
	s13 =	ssub.s32 s23, s9;
	s8 =	sshrl.u32 s22, $0x2  }
0xc: {  	s24 =	sadd.s32 s11, s6;
	s9 =	sor.u32 $0x1C07, s25;
	s22 =	simm.s32 $0x2980  }
0xd: {  	s23 =	simm.s32 $0x80;
	s25 =	simm.s32 $0x50;
	s10 =	sshrl.u32 s7, $0x3  }
0xe: {  	s7 =	smul.u32 $0x1900, s14;
	s8 =	sadd.s32 s8, s1;
	s11 =	sshrl.u32 s24, $0x3  }
0xf: {  	s16 =	smax.u32 s13, $0x1;
	s13 =	sadd.s32 $0xA000, s24;
	s24 =	simm.s32 $0x1  }
0x10: {  	s0 =	sadd.s32 s10, s0;
	s11 =	sadd.s32 s4, s11;
	s2 =	sadd.s32 s2, s10  }
0x11: {  	s19 =	sshrl.u32 s8, $0x3;
	s0 =	sadd.s32 $0x563800, s0;
	[dreg:$0x5] =	wrdreg s11  }
.Ltmp0:
0x12: {  	s12 =	sshrl.u32 s7, $0x3;
	[dreg:$0x9] =	wrdreg s2;
	(pc) =	sbr.rel .LBB2_1-.Ltmp0, $4  }
0x13: {  	s11 =	sadd.s32 $0x500, s11;
	s2 =	simm.s32 $0x0;
	[dreg:$0x4] =	wrdreg s0  }
0x14: {  	s15 =	sadd.s32 s5, s12;
	s12 =	smul.u32 $0xFA0, s14;
	[dreg:$0x7] =	wrdreg s11  }
0x15: {  	s14 =	sadd.s32 $0x200, s7;
	[dreg:$0x6] =	wrdreg s15;
	s26 =	sadd.s32 $0x10, s15  }
0x16: {  	s0 =	simm.s32 $0x3;
	[dreg:$0x8] =	wrdreg s26;
	s26 =	simm.s32 $0x2  }
.LBB2_4:
0x17: {  	_ =	swait.ge [sflag:s26], $0x2800  }
0x18: {  	[sflag:s26] =	ssyncset.done $0x0  }
0x19: {  	[sflag:s26] =	ssyncadd.s32 $0xFFFFD800  }
0x1a: {  	_ =	swait.ge [sflag:s26], $0x80  }
0x1b: {  	[sflag:s26] =	ssyncset.done $0x0  }
0x1c: {  	[sflag:s26] =	ssyncadd.s32 $0xFFFFFF80  }
0x1d: {  	[spmem:s1] =	stream.indirect.scatter.add.f32 [tilespmem:s22], [sflag:$0x5], $0x80, s23, s25, $0xb8;
	[tilespmem:$0x1B200] =	vst v63  }
0x1e: {  	_ =	swait.ge [sflag:s28], $0x2800  }
0x1f: {  	[sflag:s28] =	ssyncset.done $0x0  }
0x20: {  	[sflag:s28] =	ssyncadd.s32 $0xFFFFD800  }
0x21: {  	_ =	swait.ge [sflag:s29], $0x2800  }
0x22: {  	[sflag:s29] =	ssyncset.done $0x0  }
0x23: {  	s2 =	sadd.s32 $0x1, s2;
	[sflag:s29] =	ssyncadd.s32 $0xFFFFD800  }
0x24: {  	p0 =	sne.s32 s2, s16;
	[bflag:$0x0] =	sbarrier.arrive $0xFFFF  }
.Ltmp1:
0x25: {  	s8 =	rddreg [dreg:$0x9];
	(pc) =	sbr.rel @!p0 .LBB2_5-.Ltmp1, $4  }
0x26: {  	[hbm:s8], [sflag:s9] =	dma.local [spmem:s19], $0x2800  }
0x27: {  	_ =	swait.ge [sflag:s20], $0x2800  }
0x28: {  	[sflag:s20] =	ssyncset.done $0x0  }
0x29: {  	[sflag:s20] =	ssyncadd.s32 $0xFFFFD800  }
.LBB2_1:
0x2a: {  	s8 =	rddreg [dreg:$0x4]  }
0x2b: {  	[spmem:s19], [sflag:s9] =	dma.local [hbm:s8], $0x2800  }
0x2c: {  	_ =	swait.ge [sflag:s20], $0x2800  }
0x2d: {  	[sflag:s20] =	ssyncset.done $0x0  }
0x2e: {  	s11 =	rddreg [dreg:$0x5];
	[sflag:s20] =	ssyncadd.s32 $0xFFFFD800  }
0x2f: {  	[tilespmem:s21], [sflag:$0x1] =	stream.linear.gather [hbm4b:s11+s3], $0x2800, $0x38;
	[tilespmem:$0x1B200] =	vst v63  }
0x30: {  	s15 =	rddreg [dreg:$0x6]  }
0x31: {  	[tilespmem:s3], [sflag:$0x1] =	stream.linear.gather [hbm4b:s15+s3], $0x80, $0x38;
	[tilespmem:$0x1B200] =	vst v63  }
0x32: {  	s17 =	rddreg [dreg:$0x7]  }
0x33: {  	[tilespmem:s22], [sflag:$0x2] =	stream.linear.gather [hbm4b:s17+s3], $0x2800, $0x38;
	[tilespmem:$0x1B200] =	vst v63  }
0x34: {  	s10 =	simm.s32 $0x2;
	s8 =	simm.s32 $0x10;
	s18 =	rddreg [dreg:$0x8]  }
0x35: {  	[tilespmem:s23], [sflag:$0x2] =	stream.linear.gather [hbm4b:s18+s3], $0x80, $0x38;
	[tilespmem:$0x1B200] =	vst v63  }
0x36: {  	s17 =	smov.u32 s14;
	s18 =	smov.u32 s13;
	[bflag:$0x0] =	sbarrier.arrive $0xFFFF  }
.LBB2_2:
0x37: {  	_ =	swait.ge [sflag:s24], $0x2800  }
0x38: {  	[sflag:s24] =	ssyncset.done $0x0  }
0x39: {  	p0 =	seq.s32 s8, $0x10;
	[sflag:s24] =	ssyncadd.s32 $0xFFFFD800  }
0x3a: {  	p1 =	seq.s32 @!p0 s8, $0x0;
	_ =	swait.ge [sflag:s24], $0x80  }
0x3b: {  	p1 =	por p0, !p1;
	[sflag:s24] =	ssyncset.done $0x0  }
.Ltmp2:
0x3c: {  	s15 =	simm.s32 @!p0 $0x6;
	[sflag:s24] =	ssyncadd.s32 $0xFFFFFF80;
	(pc) =	sbr.rel @!p1 .LBB2_4-.Ltmp2, $4  }
0x3d: {  	[spmem:s1] =	stream.indirect.scatter.add.f32 [tilespmem:s21], [sflag:$0x4], $0x80, s3, s25, $0xb8;
	[tilespmem:$0x1B200] =	vst v63  }
0x3e: {  	_ =	swait.ge @!p0 [sflag:s15], $0x2800  }
0x3f: {  	[sflag:s15] =	ssyncset.done @!p0 $0x0  }
0x40: {  	[sflag:s15] =	ssyncadd.s32 @!p0 $0xFFFFD800  }
0x41: {  	s15 =	smov.u32 s10  }
0x42: {  	s15 =	simm.s32 @p0 $0x2  }
0x43: {  	s11 =	smul.u32 $0x50, s15;
	_ =	sdelay $0x1  }
0x44: {  	s11 =	sadd.s32 s12, s11  }
0x45: {  	s11 =	sshll.u32 s11, $0x7  }
0x46: {  	s11 =	sadd.s32 s6, s11  }
0x47: {  	s11 =	sshrl.u32 s11, $0x3  }
0x48: {  	s15 =	sshll.u32 s15, $0x7;
	s11 =	sadd.s32 s4, s11  }
0x49: {  	[tilespmem:s30], [sflag:$0x3] =	stream.linear.gather [hbm4b:s11+s3], $0x2800, $0x38;
	[tilespmem:$0x1B200] =	vst v63  }
0x4a: {  	s11 =	sadd.s32 s7, s15  }
0x4b: {  	s11 =	sshrl.u32 s11, $0x3  }
0x4c: {  	s11 =	sadd.s32 s5, s11  }
0x4d: {  	[tilespmem:s31], [sflag:$0x3] =	stream.linear.gather [hbm4b:s11+s3], $0x80, $0x38;
	[tilespmem:$0x1B200] =	vst v63  }
0x4e: {  	_ =	swait.ge [sflag:s26], $0x2800  }
0x4f: {  	[sflag:s26] =	ssyncset.done $0x0  }
0x50: {  	[sflag:s26] =	ssyncadd.s32 $0xFFFFD800  }
0x51: {  	_ =	swait.ge [sflag:s26], $0x80  }
0x52: {  	[sflag:s26] =	ssyncset.done $0x0  }
0x53: {  	[sflag:s26] =	ssyncadd.s32 $0xFFFFFF80  }
0x54: {  	[spmem:s1] =	stream.indirect.scatter.add.f32 [tilespmem:s22], [sflag:$0x5], $0x80, s23, s25, $0xb8;
	[tilespmem:$0x1B200] =	vst v63  }
0x55: {  	s15 =	sadd.s32 $0xFFFFD800, s18;
	_ =	swait.ge [sflag:s28], $0x2800  }
0x56: {  	s11 =	sshrl.u32 s15, $0x3;
	[sflag:s28] =	ssyncset.done $0x0  }
0x57: {  	s15 =	sadd.s32 $0xFFFFFF80, s17;
	s11 =	sadd.s32 s4, s11;
	[sflag:s28] =	ssyncadd.s32 $0xFFFFD800  }
0x58: {  	[tilespmem:s21], [sflag:$0x1] =	stream.linear.gather [hbm4b:s11+s3], $0x2800, $0x38;
	[tilespmem:$0x1B200] =	vst v63  }
0x59: {  	s11 =	sshrl.u32 s15, $0x3  }
0x5a: {  	s11 =	sadd.s32 s5, s11  }
0x5b: {  	[tilespmem:s3], [sflag:$0x1] =	stream.linear.gather [hbm4b:s11+s3], $0x80, $0x38;
	[tilespmem:$0x1B200] =	vst v63  }
0x5c: {  	_ =	swait.ge [sflag:s0], $0x2800  }
0x5d: {  	[sflag:s0] =	ssyncset.done $0x0  }
0x5e: {  	[sflag:s0] =	ssyncadd.s32 $0xFFFFD800  }
0x5f: {  	_ =	swait.ge [sflag:s0], $0x80  }
0x60: {  	[sflag:s0] =	ssyncset.done $0x0  }
0x61: {  	[sflag:s0] =	ssyncadd.s32 $0xFFFFFF80  }
0x62: {  	[spmem:s1] =	stream.indirect.scatter.add.f32 [tilespmem:s30], [sflag:$0x6], $0x80, s31, s25, $0xb8;
	[tilespmem:$0x1B200] =	vst v63  }
0x63: {  	s8 =	sadd.s32 $0xFFFFFFFF, s8;
	s10 =	sadd.s32 $0x3, s10;
	_ =	swait.ge [sflag:s29], $0x2800  }
.Ltmp3:
0x64: {  	s15 =	sshrl.u32 s18, $0x3;
	[sflag:s29] =	ssyncset.done $0x0;
	(pc) =	sbr.rel .LBB2_2-.Ltmp3, $4  }
0x65: {  	s11 =	sadd.s32 s4, s15;
	s15 =	sshrl.u32 s17, $0x3;
	[sflag:s29] =	ssyncadd.s32 $0xFFFFD800  }
0x66: {  	[tilespmem:s22], [sflag:$0x2] =	stream.linear.gather [hbm4b:s11+s3], $0x2800, $0x38;
	[tilespmem:$0x1B200] =	vst v63  }
0x67: {  	s18 =	sadd.s32 $0x7800, s18;
	s17 =	sadd.s32 $0x180, s17;
	s11 =	sadd.s32 s5, s15  }
0x68: {  	[tilespmem:s23], [sflag:$0x2] =	stream.linear.gather [hbm4b:s11+s3], $0x80, $0x38;
	[tilespmem:$0x1B200] =	vst v63  }
.LBB2_5:
0x69: {  	_ =	sfence.sel $0x180000  }
0x6a: {  	[bflag:$0x0] =	sbarrier.arrive $0xFFFF  }
0x6b: {  	_ =	strace $0x9000004A  }
0x6c: {  	s0 =	stileid.u32;
	[bflag:$0x2] =	sbarrier.arrive $0xFFFF  }
0x6d: {  	p0 =	sne.s32 s0, $0x0;
	s0 =	rddreg [dreg:$0x3]  }
0x6e: {  	s0 =	sadd.s32 @!p0 $0x100000, s0  }
0x6f: {  	[sflag:s0] =	ssyncadd.tile.s32 @!p0 $0x1;
	_ =	shalt  }
.Lfunc_end2:
_tile_overlayer_lowered:
.L_overlay_start_2:
0x70: {  	(tag) =	ssettag $0x2  }
0x71: {  	s0 =	rddreg [dreg:$0x0];
	s2 =	stileid.u32  }
0x72: {  	s1 =	rddreg [dreg:$0x1];
	p0 =	sne.s32 s2, $0x0  }
0x73: {  	s3 =	rddreg [dreg:$0x2];
	[bflag:$0x3] =	sbarrier.arrive $0xFFFF;
	s2 =	simm.s32 @!p0 $0x1C07  }
0x74: {  	[timem:s3], [sflag:s2] =	dma.local @!p0 [hbm:s0], s1  }
0x75: {  	s0 =	simm.s32 @!p0 $0x7  }
0x76: {  	_ =	swait.ge @!p0 [sflag:s0], s1  }
0x77: {  	s1 =	ssub.s32 @!p0 $0x0, s1;
	[sflag:s0] =	ssyncset.done @!p0 $0x0  }
0x78: {  	[sflag:s0] =	ssyncadd.s32 @!p0 s1  }
0x79: {  	[bflag:$0x3] =	sbarrier.arrive $0xFFFF  }
0x7a: {  	_ =	shalt  }

// kernel: kernel.7.cloned.1.call-start
scs
__scs_entry_jumppad:
0x0: {  	(pc) =	sbr.rel $0x88, $3  }
0x1: {  	(tag) =	ssettag $0x0;
	lr =	simm.s32 $0x1  }
0x2: {  	[smem:$0x3F96] =	sst lr;
	_ =	strace $0xD0000000  }
0x3: {  	_ = 	snop  }
0x4: {  	_ = 	snop  }
0x5: {  	_ = 	snop  }
0x6: {  	_ = 	snop  }
0x7: {  	_ = 	snop  }
__scs_overlays_trampoline_lowered:
0x8: {  	[smem:$0x3FA5] =	sst s0  }
0x9: {  	[smem:$0x3FA6] =	sst s1  }
0xa: {  	[smem:$0x3FA7] =	sst s2  }
0xb: {  	[smem:$0x3FA8] =	sst s3  }
0xc: {  	[smem:$0x3FA9] =	sst s4  }
0xd: {  	[smem:$0x3FAA] =	sst s5  }
0xe: {  	[smem:$0x3FAB] =	sst s6  }
0xf: {  	[smem:$0x3FAC] =	sst s7  }
0x10: {  	[smem:$0x3FAD] =	sst s8  }
0x11: {  	[smem:$0x3FAE] =	sst s9;
	s0 =	simm.s32 @!p0 $0x0  }
0x12: {  	s1 =	sld [smem:$0x3F94];
	s0 =	simm.s32 @p0 $0x1  }
0x13: {  	[smem:$0x3FAF] =	sst s0;
	s0 =	simm.s32 @!p1 $0x0  }
0x14: {  	s2 =	sld [smem:$0x3F93];
	s0 =	simm.s32 @p1 $0x1  }
0x15: {  	[smem:$0x3FB0] =	sst s0;
	s0 =	simm.s32 @!p2 $0x0  }
0x16: {  	s3 =	sld [smem:$0x3FDB];
	s0 =	simm.s32 @p2 $0x1  }
0x17: {  	s4 =	simm.s32 $0x1BF5;
	[smem:$0x3FB2] =	sst s0  }
0x18: {  	s0 =	sld [smem:$0x3F95];
	_ =	swait.ge [sflag:s4], $0x0  }
0x19: {  	s7 =	sld [smem:$0x3F96]  }
0x1a: {  	s8 =	sadd.s32 $0xFFFFE003, lr  }
0x1b: {  	s9 =	sadd.s32 $0xFFFFFEF7, lr;
	s5 =	simm.s32 $0xFFFFFFFF;
	p2 =	slt.u32 s8, $0xFFFFF086  }
0x1c: {  	p1 =	slt.u32 s9, $0xF7A;
	s5 =	simm.s32 @!p2 $0x0  }
0x1d: {  	s5 =	simm.s32 @p1 $0x1;
	p0 =	seq.s32 s7, s2  }
0x1e: {  	s7 =	smul.u32 @!p0 $0xF7A, s2;
	p2 =	seq.s32 @!p0 s5, $0x0  }
0x1f: {  	s9 =	smul.u32 $0xF7A, s1;
	s8 =	simm.s32 @!p0 $0x1BF5;
	p2 =	por !p2, p0  }
0x20: {  	[sflag:s8] =	ssyncset.s32 @!p0 $0xFFFFF086;
	s6 =	sadd.s32 @!p0 s3, s7;
	s7 =	simm.s32 @!p0 $0x108  }
0x21: {  	s3 =	sadd.s32 s3, s9;
	s6 =	sadd.s32 @!p0 $0x88, s6;
	s7 =	simm.s32 @p2 $0x1082  }
0x22: {  	[simem:s7], [sflag:s8] =	dma.local @!p0 [hbm:s6], $0xF7A  }
0x23: {  	s9 =	sor.u32 $0xD0000000, s2;
	s6 =	simm.s32 $0x108;
	_ =	swait.ge @!p0 [sflag:s8], $0x0  }
0x24: {  	s3 =	sadd.s32 $0x88, s3;
	s6 =	simm.s32 @!p1 $0x1082;
	[sflag:s4] =	ssyncset.s32 $0xFFFFF086  }
0x25: {  	[simem:s6], [sflag:s4] =	dma.local [hbm:s3], $0xF7A  }
0x26: {  	[smem:$0x3F96] =	sst s1;
	(tag) =	ssettag s2;
	_ =	strace s9  }
0x27: {  	s1 =	sld [smem:$0x3FA6]  }
0x28: {  	s2 =	sld [smem:$0x3FA7]  }
0x29: {  	s4 =	sld [smem:$0x3FA9]  }
0x2a: {  	p0 =	seq.s32 s5, $0x0;
	s5 =	sld [smem:$0x3FAA]  }
0x2b: {  	s6 =	sld [smem:$0x3FAB]  }
0x2c: {  	s7 =	sld [smem:$0x3FAC]  }
0x2d: {  	s3 =	simm.s32 $0x108;
	s8 =	sld [smem:$0x3FAD]  }
0x2e: {  	s3 =	simm.s32 @!p0 $0x1082;
	s9 =	sld [smem:$0x3FAE]  }
0x2f: {  	lr =	sadd.s32 s0, s3;
	s0 =	sld [smem:$0x3FA5]  }
0x30: {  	s3 =	sld [smem:$0x3FA8]  }
0x31: {  	[smem:$0x3FB1] =	sst s10  }
0x32: {  	s10 =	sld [smem:$0x3FAF];
	_ =	sdelay $0x3  }
0x33: {  	p0 =	seq.s32 s10, $0x1;
	s10 =	sld [smem:$0x3FB1];
	_ =	sdelay $0x3  }
0x34: {  	[smem:$0x3FB1] =	sst s10  }
0x35: {  	s10 =	sld [smem:$0x3FB0];
	_ =	sdelay $0x3  }
0x36: {  	p1 =	seq.s32 s10, $0x1;
	s10 =	sld [smem:$0x3FB1];
	_ =	sdelay $0x3  }
0x37: {  	[smem:$0x3FB1] =	sst s10  }
0x38: {  	s10 =	sld [smem:$0x3FB2]  }
0x39: {  	_ = 	snop;
	(pc) =	sbr.ind lr, $3  }
0x3a: {  	_ = 	snop  }
0x3b: {  	_ = 	snop  }
0x3c: {  	p2 =	seq.s32 s10, $0x1;
	s10 =	sld [smem:$0x3FB1]  }
0x3d: {  	_ =	shalt  }
0x3e: {  	_ =	shalt  }
0x3f: {  	_ =	shalt  }
0x40: {  	_ =	shalt  }
0x41: {  	_ =	shalt  }
0x42: {  	_ =	shalt  }
0x43: {  	_ =	shalt  }
0x44: {  	_ =	shalt  }
0x45: {  	_ =	shalt  }
0x46: {  	_ =	shalt  }
0x47: {  	_ =	shalt  }
0x48: {  	_ =	shalt  }
0x49: {  	_ =	shalt  }
0x4a: {  	_ =	shalt  }
0x4b: {  	_ =	shalt  }
0x4c: {  	_ =	shalt  }
0x4d: {  	_ =	shalt  }
0x4e: {  	_ =	shalt  }
0x4f: {  	_ =	shalt  }
0x50: {  	_ =	shalt  }
0x51: {  	_ =	shalt  }
0x52: {  	_ =	shalt  }
0x53: {  	_ =	shalt  }
0x54: {  	_ =	shalt  }
0x55: {  	_ =	shalt  }
0x56: {  	_ =	shalt  }
0x57: {  	_ =	shalt  }
0x58: {  	_ =	shalt  }
0x59: {  	_ =	shalt  }
0x5a: {  	_ =	shalt  }
0x5b: {  	_ =	shalt  }
0x5c: {  	_ =	shalt  }
0x5d: {  	_ =	shalt  }
0x5e: {  	_ =	shalt  }
0x5f: {  	_ =	shalt  }
0x60: {  	_ =	shalt  }
0x61: {  	_ =	shalt  }
0x62: {  	_ =	shalt  }
0x63: {  	_ =	shalt  }
0x64: {  	_ =	shalt  }
0x65: {  	_ =	shalt  }
0x66: {  	_ =	shalt  }
0x67: {  	_ =	shalt  }
0x68: {  	_ =	shalt  }
0x69: {  	_ =	shalt  }
0x6a: {  	_ =	shalt  }
0x6b: {  	_ =	shalt  }
0x6c: {  	_ =	shalt  }
0x6d: {  	_ =	shalt  }
0x6e: {  	_ =	shalt  }
0x6f: {  	_ =	shalt  }
0x70: {  	_ =	shalt  }
0x71: {  	_ =	shalt  }
0x72: {  	_ =	shalt  }
0x73: {  	_ =	shalt  }
0x74: {  	_ =	shalt  }
0x75: {  	_ =	shalt  }
0x76: {  	_ =	shalt  }
0x77: {  	_ =	shalt  }
0x78: {  	_ =	shalt  }
0x79: {  	_ =	shalt  }
0x7a: {  	_ =	shalt  }
0x7b: {  	_ =	shalt  }
0x7c: {  	_ =	shalt  }
0x7d: {  	_ =	shalt  }
0x7e: {  	_ =	shalt  }
0x7f: {  	_ =	shalt  }
0x80: {  	_ =	shalt  }
0x81: {  	_ =	shalt  }
0x82: {  	_ =	shalt  }
0x83: {  	_ =	shalt  }
0x84: {  	_ =	shalt  }
0x85: {  	_ =	shalt  }
0x86: {  	_ =	shalt  }
0x87: {  	_ =	shalt  }
.Lfunc_end0:
.L_simem_size_0:
called_computation_lowered:
.L_overlay_start_0:
0x88: {  	s2 =	sld [smem:$0x3FD9]  }
0x89: {  	s3 =	sld [smem:$0x3FFE];
	_ =	sdelay $0x1  }
0x8a: {  	s1 =	srdreg.scid  }
0x8b: {  	s0 =	sand.u32 $0x1, s1  }
0x8c: {  	s17 =	sshll.u32 s0, $0xA;
	s2 =	sadd.s32 s3, s2  }
0x8d: {  	s2 =	sadd.s32 s2, s17  }
0x8e: {  	[smem:$0x3FBD] =	sst s2  }
0x8f: {  	_ = 	snop  }
0x90: {  	s2 =	sld [smem:$0x3FD0];
	(tm) =	ssettm $0x1  }
0x91: {  	s18 =	sld [smem:$0x3FFB];
	_ =	sdelay $0x3  }
0x92: {  	_ =	strace s18  }
0x93: {  	s3 =	sld [smem:$0x3FFC];
	_ =	sdelay $0x3  }
0x94: {  	_ =	strace s3  }
0x95: {  	s3 =	sld [smem:$0x3FFD];
	_ =	sdelay $0x3  }
0x96: {  	_ =	strace s3  }
0x97: {  	_ =	strace $0x8FFFFFFF  }
0x98: {  	s19 =	sld [smem:$0x3FDB];
	_ =	sdelay $0x1  }
0x99: {  	s4 =	simm.s32 $_scs_section_size  }
0x9a: {  	s5 =	simm.s32 $_size__tile_overlayer_lowered;
	s6 =	simm.s32 $_tile_overlayer_lowered  }
0x9b: {  	s22 =	simm.s32 $0x1BFF;
	s21 =	sshll.u32 s6, $0x1;
	s3 =	sadd.s32 s4, s19  }
0x9c: {  	s7 =	simm.s32 $0x0;
	s20 =	sshll.u32 s5, $0x1;
	s5 =	sadd.s32 s21, s3  }
0x9d: {  	[timem:s7], [sflag:s22] =	dma.local [hbm:s5], s20  }
0x9e: {  	_ =	swait.ge [sflag:s22], s20  }
0x9f: {  	s4 =	ssub.s32 $0x0, s20;
	[sflag:s22] =	ssyncset.done $0x0  }
0xa0: {  	[sflag:s22] =	ssyncadd.s32 s4;
	_ =	sdelay $0x1  }
0xa1: {  	s23 =	simm.s32 $0x1B8B  }
0xa2: {  	_ =	swait.ge [sflag:s23], $0x1  }
0xa3: {  	[sflag:s23] =	ssyncset.done $0x0  }
0xa4: {  	s25 =	simm.s32 $0x1B8E;
	s24 =	sld [smem:$0x3FFE];
	[sflag:s23] =	ssyncadd.s32 $0xFFFFFFFF  }
0xa5: {  	s26 =	simm.s32 $execute0_lowered;
	[smem:$0x3FD2] =	sst s25  }
0xa6: {  	s5 =	sshll.u32 s26, $0x1;
	_ =	strace $0x80000046;
	[dreg:$0x1] =	wrdreg $0xFFFFFFFF  }
0xa7: {  	s28 =	simm.s32 $_size_execute0_lowered;
	s3 =	sadd.s32 s3, s5;
	[dreg:$0x0] =	wrdreg $0x0  }
0xa8: {  	s5 =	sshll.u32 s28, $0x1;
	[dreg:$0x2] =	wrdreg s3  }
0xa9: {  	[dreg:$0x3] =	wrdreg s5  }
0xaa: {  	[dreg:$0x4] =	wrdreg $0xC0  }
0xab: {  	_ =	task [dreg:s7], $0x5FFFF  }
0xac: {  	[dreg:$0x1] =	wrdreg $0xFFFFFFFF  }
0xad: {  	[dreg:$0x0] =	wrdreg $0x60  }
0xae: {  	[dreg:$0x2] =	wrdreg s24  }
0xaf: {  	[dreg:$0x3] =	wrdreg s2  }
0xb0: {  	[dreg:$0x4] =	wrdreg $0x79800  }
0xb1: {  	[dreg:$0x5] =	wrdreg $0x9  }
0xb2: {  	_ =	task.clear_ibuf [dreg:s7], $0x6FFFF;
	_ =	strace $0x90000046  }
0xb3: {  	s29 =	simm.s32 $0x9;
	_ =	strace $0x80000048  }
0xb4: {  	_ =	swait.ge [sflag:s29], $0x1  }
0xb5: {  	[sflag:s29] =	ssyncadd.s32 $0xFFFFFFFF  }
0xb6: {  	_ =	strace $0x90000048  }
0xb7: {  	_ =	sfence  }
0xb8: {  	s30 =	sld [smem:$0x0];
	_ =	sdelay $0x2  }
0xb9: {  	s31 =	sshll.u32 s1, $0xD;
	s1 =	sshrl.u32 s1, $0x2  }
0xba: {  	s3 =	sand.u32 $0x4000, s31;
	s1 =	sadd.s32 s1, s30  }
0xbb: {  	s0 =	sor.u32 s3, s0;
	s1 =	sshll.u32 s1, $0x11  }
0xbc: {  	s0 =	sor.u32 s1, s0  }
0xbd: {  	s0 =	sadd.s32 $0x8F2B, s0  }
0xbe: {  	[sflag:s0] =	ssyncadd.remote.s32 $0x1  }
0xbf: {  	_ =	sfence.sel $0xFFFF  }
0xc0: {  	[dreg:$0x0] =	wrdreg $0xFFFFFFFF;
	(pc) =	sbr.abs _section_cstart, $3  }
0xc1: {  	[dreg:$0x1] =	wrdreg $0xFFFFFFFF  }
0xc2: {  	_ =	task.clear_ibuf [dreg:s7], $0x2FFFF;
	_ =	strace $0x9FFFFFFF  }
0xc3: {  	(tm) =	ssettm $0x7FFFFFFF  }
tec
execute0_lowered:
.L_overlay_start_1:
0x0: {  	(tag) =	ssettag $0x1  }
0x1: {  	s0 =	rddreg [dreg:$0x0]  }
0x2: {  	s2 =	rddreg [dreg:$0x1]  }
0x3: {  	s1 =	rddreg [dreg:$0x2];
	s11 =	stileid.u32  }
0x4: {  	s3 =	srdreg.scid;
	s7 =	smul.u32 $0x13800, s11  }
0x5: {  	s28 =	simm.s32 $0x4;
	s29 =	simm.s32 $0x3;
	s8 =	smul.u32 $0x4E000, s11  }
0x6: {  	s30 =	simm.s32 $0x5;
	s31 =	simm.s32 $0x6;
	s9 =	smul.u32 $0xBB800, s11  }
0x7: {  	s5 =	sand.u32 $0x1, s3;
	s3 =	simm.s32 $0x0;
	s15 =	smul.u32 $0x2580, s11  }
0x8: {  	s4 =	sadd.s32 $0x273000, s0;
	s10 =	sadd.s32 $0x561000, s0;
	s22 =	smul.u32 $0x4B0, s11  }
0x9: {  	s18 =	sshll.u32 s11, $0x6;
	s6 =	smul.u32 $0x138800, s5;
	[smem:$0x7FF] =	sst s3  }
0xa: {  	s12 =	smul.u32 $0xBB8000, s5;
	s5 =	ssub.s32 $0x2, s5;
	_ =	strace $0x80000047  }
0xb: {  	[dreg:$0x4] =	wrdreg s10;
	s13 =	sshrl.u32 s5, $0x1;
	s8 =	sshrl.u32 s8, $0x2  }
0xc: {  	s19 =	sshrl.u32 s15, $0x3;
	s6 =	sadd.s32 s7, s6;
	s14 =	sadd.s32 s9, s12  }
0xd: {  	s5 =	ssub.s32 s5, s13;
	s16 =	sadd.s32 s8, s1;
	s7 =	sor.u32 $0x1C07, s18  }
0xe: {  	s8 =	sadd.s32 s2, s19;
	s13 =	sadd.s32 s22, s2;
	s18 =	simm.s32 $0x7  }
0xf: {  	s19 =	simm.s32 $0x180;
	s22 =	simm.s32 $0x1;
	s6 =	sshrl.u32 s6, $0x3  }
0x10: {  	s17 =	sshrl.u32 s14, $0x3;
	s21 =	sadd.s32 $0x10, s8;
	s23 =	sadd.s32 $0x5000, s14  }
0x11: {  	s24 =	sadd.s32 $0xA000, s14;
	s2 =	sadd.s32 $0x7800, s14;
	s0 =	sadd.s32 s6, s0  }
0x12: {  	s12 =	sadd.s32 s4, s17;
	[dreg:$0x7] =	wrdreg s21;
	s25 =	sshrl.u32 s23, $0x3  }
0x13: {  	s26 =	sshrl.u32 s24, $0x3;
	s17 =	sshrl.u32 s16, $0x3;
	s21 =	simm.s32 $0x80  }
.Ltmp0:
0x14: {  	s23 =	simm.s32 $0x50;
	s24 =	simm.s32 $0x5180;
	(pc) =	sbr.rel .LBB2_1-.Ltmp0, $4  }
0x15: {  	[dreg:$0x5] =	wrdreg s12;
	s20 =	sadd.s32 $0x500, s12;
	s0 =	sadd.s32 $0x563800, s0  }
0x16: {  	s12 =	smax.u32 s5, $0x1;
	s9 =	sadd.s32 s25, s4;
	s5 =	sadd.s32 s26, s4  }
0x17: {  	s25 =	simm.s32 $0x100;
	s26 =	simm.s32 $0x2;
	[dreg:$0x6] =	wrdreg s20  }
0x18: {  	[dreg:$0x8] =	wrdreg s0;
	s20 =	simm.s32 $0x2980;
	s0 =	simm.s32 $0x0  }
.LBB2_4:
0x19: {  	_ =	swait.ge [sflag:s29], $0x2800  }
0x1a: {  	[sflag:s29] =	ssyncset.done $0x0  }
0x1b: {  	[sflag:s29] =	ssyncadd.s32 $0xFFFFD800  }
0x1c: {  	_ =	swait.ge [sflag:s29], $0x80  }
0x1d: {  	[sflag:s29] =	ssyncset.done $0x0  }
0x1e: {  	[sflag:s29] =	ssyncadd.s32 $0xFFFFFF80  }
0x1f: {  	[spmem:s1] =	stream.indirect.scatter.add.f32 [tilespmem:s24], [sflag:$0x6], $0x80, s25, s23, $0xb8;
	[tilespmem:$0x1B200] =	vst v63  }
0x20: {  	_ =	swait.ge [sflag:s30], $0x2800  }
0x21: {  	[sflag:s30] =	ssyncset.done $0x0  }
0x22: {  	[sflag:s30] =	ssyncadd.s32 $0xFFFFD800  }
0x23: {  	_ =	swait.ge [sflag:s31], $0x2800  }
0x24: {  	[sflag:s31] =	ssyncset.done $0x0  }
0x25: {  	s0 =	sadd.s32 $0x1, s0;
	[sflag:s31] =	ssyncadd.s32 $0xFFFFD800  }
0x26: {  	p0 =	sne.s32 s0, s12;
	[bflag:$0x0] =	sbarrier.arrive $0xFFFF  }
.Ltmp1:
0x27: {  	s6 =	rddreg [dreg:$0x8];
	(pc) =	sbr.rel @!p0 .LBB2_5-.Ltmp1, $4  }
0x28: {  	[hbm:s6], [sflag:s7] =	dma.local [spmem:s17], $0x2800  }
0x29: {  	_ =	swait.ge [sflag:s18], $0x2800  }
0x2a: {  	[sflag:s18] =	ssyncset.done $0x0  }
0x2b: {  	[sflag:s18] =	ssyncadd.s32 $0xFFFFD800  }
.LBB2_1:
0x2c: {  	s6 =	rddreg [dreg:$0x4]  }
0x2d: {  	[spmem:s17], [sflag:s7] =	dma.local [hbm:s6], $0x2800  }
0x2e: {  	_ =	swait.ge [sflag:s18], $0x2800  }
0x2f: {  	[sflag:s18] =	ssyncset.done $0x0  }
0x30: {  	s14 =	rddreg [dreg:$0x5];
	[sflag:s18] =	ssyncadd.s32 $0xFFFFD800  }
0x31: {  	[tilespmem:s19], [sflag:$0x1] =	stream.linear.gather [hbm4b:s14+s3], $0x2800, $0x38;
	[tilespmem:$0x1B200] =	vst v63  }
0x32: {  	_ = 	snop  }
0x33: {  	[tilespmem:s3], [sflag:$0x1] =	stream.linear.gather [hbm4b:s8+s3], $0x80, $0x38;
	[tilespmem:$0x1B200] =	vst v63  }
0x34: {  	s15 =	rddreg [dreg:$0x6]  }
0x35: {  	[tilespmem:s20], [sflag:$0x2] =	stream.linear.gather [hbm4b:s15+s3], $0x2800, $0x38;
	[tilespmem:$0x1B200] =	vst v63  }
0x36: {  	s6 =	simm.s32 $0x0;
	s16 =	rddreg [dreg:$0x7];
	s14 =	smov.u32 s9  }
0x37: {  	[tilespmem:s21], [sflag:$0x2] =	stream.linear.gather [hbm4b:s16+s3], $0x80, $0x38;
	[tilespmem:$0x1B200] =	vst v63  }
0x38: {  	s15 =	smov.u32 s5;
	s16 =	smov.u32 s2;
	[bflag:$0x0] =	sbarrier.arrive $0xFFFF  }
.LBB2_2:
0x39: {  	_ =	swait.ge [sflag:s22], $0x2800  }
0x3a: {  	[sflag:s22] =	ssyncset.done $0x0  }
0x3b: {  	[sflag:s22] =	ssyncadd.s32 $0xFFFFD800  }
0x3c: {  	_ =	swait.ge [sflag:s22], $0x80  }
0x3d: {  	p0 =	seq.s32 s6, $0x0;
	[sflag:s22] =	ssyncset.done $0x0  }
0x3e: {  	s10 =	simm.s32 @!p0 $0x6;
	[sflag:s22] =	ssyncadd.s32 $0xFFFFFF80  }
0x3f: {  	[spmem:s1] =	stream.indirect.scatter.add.f32 [tilespmem:s19], [sflag:$0x4], $0x80, s3, s23, $0xb8;
	[tilespmem:$0x1B200] =	vst v63  }
0x40: {  	_ =	swait.ge @!p0 [sflag:s10], $0x2800  }
0x41: {  	[sflag:s10] =	ssyncset.done @!p0 $0x0  }
0x42: {  	[sflag:s10] =	ssyncadd.s32 @!p0 $0xFFFFD800;
	s10 =	sadd.s32 s6, s13  }
0x43: {  	[tilespmem:s24], [sflag:$0x3] =	stream.linear.gather [hbm4b:s14+s3], $0x2800, $0x38;
	[tilespmem:$0x1B200] =	vst v63  }
0x44: {  	s11 =	sadd.s32 $0x20, s10  }
0x45: {  	[tilespmem:s25], [sflag:$0x3] =	stream.linear.gather [hbm4b:s11+s3], $0x80, $0x38;
	[tilespmem:$0x1B200] =	vst v63  }
0x46: {  	_ =	swait.ge [sflag:s26], $0x2800  }
0x47: {  	[sflag:s26] =	ssyncset.done $0x0  }
0x48: {  	[sflag:s26] =	ssyncadd.s32 $0xFFFFD800  }
0x49: {  	_ =	swait.ge [sflag:s26], $0x80  }
0x4a: {  	p0 =	seq.s32 s6, $0x480;
	[sflag:s26] =	ssyncset.done $0x0  }
.Ltmp2:
0x4b: {  	[sflag:s26] =	ssyncadd.s32 $0xFFFFFF80;
	(pc) =	sbr.rel @p0 .LBB2_4-.Ltmp2, $4  }
0x4c: {  	[spmem:s1] =	stream.indirect.scatter.add.f32 [tilespmem:s20], [sflag:$0x5], $0x80, s21, s23, $0xb8;
	[tilespmem:$0x1B200] =	vst v63  }
0x4d: {  	_ =	swait.ge [sflag:s28], $0x2800  }
0x4e: {  	[sflag:s28] =	ssyncset.done $0x0  }
0x4f: {  	[sflag:s28] =	ssyncadd.s32 $0xFFFFD800  }
0x50: {  	s11 =	sshrl.u32 s16, $0x3  }
0x51: {  	s11 =	sadd.s32 s4, s11  }
0x52: {  	[tilespmem:s19], [sflag:$0x1] =	stream.linear.gather [hbm4b:s11+s3], $0x2800, $0x38;
	[tilespmem:$0x1B200] =	vst v63  }
0x53: {  	s11 =	sadd.s32 $0x30, s10  }
0x54: {  	[tilespmem:s3], [sflag:$0x1] =	stream.linear.gather [hbm4b:s11+s3], $0x80, $0x38;
	[tilespmem:$0x1B200] =	vst v63  }
0x55: {  	_ =	swait.ge [sflag:s29], $0x2800  }
0x56: {  	[sflag:s29] =	ssyncset.done $0x0  }
0x57: {  	[sflag:s29] =	ssyncadd.s32 $0xFFFFD800  }
0x58: {  	_ =	swait.ge [sflag:s29], $0x80  }
0x59: {  	[sflag:s29] =	ssyncset.done $0x0  }
0x5a: {  	[sflag:s29] =	ssyncadd.s32 $0xFFFFFF80  }
0x5b: {  	[spmem:s1] =	stream.indirect.scatter.add.f32 [tilespmem:s24], [sflag:$0x6], $0x80, s25, s23, $0xb8;
	[tilespmem:$0x1B200] =	vst v63  }
0x5c: {  	_ =	swait.ge [sflag:s30], $0x2800  }
.Ltmp3:
0x5d: {  	[sflag:s30] =	ssyncset.done $0x0;
	(pc) =	sbr.rel .LBB2_2-.Ltmp3, $4  }
0x5e: {  	s6 =	sadd.s32 $0x30, s6;
	s14 =	sadd.s32 $0xF00, s14;
	[sflag:s30] =	ssyncadd.s32 $0xFFFFD800  }
0x5f: {  	[tilespmem:s20], [sflag:$0x2] =	stream.linear.gather [hbm4b:s15+s3], $0x2800, $0x38;
	[tilespmem:$0x1B200] =	vst v63  }
0x60: {  	s16 =	sadd.s32 $0x7800, s16;
	s11 =	sadd.s32 $0x40, s10;
	s15 =	sadd.s32 $0xF00, s15  }
0x61: {  	[tilespmem:s21], [sflag:$0x2] =	stream.linear.gather [hbm4b:s11+s3], $0x80, $0x38;
	[tilespmem:$0x1B200] =	vst v63  }
.LBB2_5:
0x62: {  	_ =	sfence.sel $0x180000  }
0x63: {  	[bflag:$0x0] =	sbarrier.arrive $0xFFFF  }
0x64: {  	_ =	strace $0x90000047  }
0x65: {  	s0 =	stileid.u32;
	[bflag:$0x2] =	sbarrier.arrive $0xFFFF  }
0x66: {  	p0 =	sne.s32 s0, $0x0;
	s0 =	rddreg [dreg:$0x3]  }
0x67: {  	s0 =	sadd.s32 @!p0 $0x100000, s0  }
0x68: {  	[sflag:s0] =	ssyncadd.tile.s32 @!p0 $0x1;
	_ =	shalt  }
.Lfunc_end2:
_tile_overlayer_lowered:
.L_overlay_start_2:
0x69: {  	(tag) =	ssettag $0x2  }
0x6a: {  	s0 =	rddreg [dreg:$0x0];
	s2 =	stileid.u32  }
0x6b: {  	s1 =	rddreg [dreg:$0x1];
	p0 =	sne.s32 s2, $0x0  }
0x6c: {  	s3 =	rddreg [dreg:$0x2];
	[bflag:$0x3] =	sbarrier.arrive $0xFFFF;
	s2 =	simm.s32 @!p0 $0x1C07  }
0x6d: {  	[timem:s3], [sflag:s2] =	dma.local @!p0 [hbm:s0], s1  }
0x6e: {  	s0 =	simm.s32 @!p0 $0x7  }
0x6f: {  	_ =	swait.ge @!p0 [sflag:s0], s1  }
0x70: {  	s1 =	ssub.s32 @!p0 $0x0, s1;
	[sflag:s0] =	ssyncset.done @!p0 $0x0  }
0x71: {  	[sflag:s0] =	ssyncadd.s32 @!p0 s1  }
0x72: {  	[bflag:$0x3] =	sbarrier.arrive $0xFFFF  }
0x73: {  	_ =	shalt  }

</sc_bundles>
